<compile_context>
chip_gen: v7x
topology: tpu7x:2x2x1
jax: 0.10.2.dev20260603
libtpu: 0.0.44.dev20260713+nightly
codegen_flags: <defaults>
</compile_context>

<pallas_src>
import functools

import jax
import jax.numpy as jnp
from jax import lax
from jax.experimental import pallas as pl
from jax.experimental.pallas import tpu as pltpu
from jax.experimental.pallas import tpu_sc as plsc

_NEG = 200
_CI = 200
_D = 128
_GATHER_TILES = 13
_PI_TILE = 13
_U_TILE = 14
_PI_ROW = 200
_CSUM_BASE = 201
_U_ROW = 214
_PACK_ROWS = 216
_LAST_OFF = 184


@functools.cache
def _make_sc_gather():
    @functools.partial(
        pl.kernel,
        out_type=jax.ShapeDtypeStruct((_PACK_ROWS, _D), jnp.float32),
        mesh=plsc.VectorSubcoreMesh(core_axis_name="c", subcore_axis_name="s",
                                    num_cores=1),
        scratch_types=[
            pltpu.VMEM((32,), jnp.int32),
            pltpu.VMEM((32, _D), jnp.float32),
            pltpu.VMEM((1, _D), jnp.float32),
            pltpu.SemaphoreType.DMA,
            pltpu.SemaphoreType.DMA,
        ],
    )
    def _sc_gather(uid_hbm, pid_hbm, ci_hbm, neg_hbm, up_hbm, pp_hbm, out_hbm,
                   idx32, rows32, srow, sem1, sem2):
        s = lax.axis_index("s")

        @pl.when(s < _GATHER_TILES)
        def _():
            base = jnp.minimum(s * 16, _LAST_OFF)
            c1 = pltpu.async_copy(neg_hbm.at[pl.ds(base, 16)],
                                  idx32.at[pl.ds(0, 16)], sem1)
            c2 = pltpu.async_copy(ci_hbm.at[pl.ds(base, 16)],
                                  idx32.at[pl.ds(16, 16)], sem2)
            c1.wait()
            g1 = pltpu.async_copy(pp_hbm.at[idx32.at[pl.ds(0, 16)]],
                                  rows32.at[pl.ds(0, 16)], sem1)
            c2.wait()
            g2 = pltpu.async_copy(pp_hbm.at[idx32.at[pl.ds(16, 16)]],
                                  rows32.at[pl.ds(16, 16)], sem2)
            g1.wait()
            w1 = pltpu.async_copy(rows32.at[pl.ds(0, 16)],
                                  out_hbm.at[pl.ds(base, 16)], sem1)
            g2.wait()
            lo_w = jnp.broadcast_to(
                jnp.where(s < _GATHER_TILES - 1, 1.0, 0.0).astype(jnp.float32),
                (16,))
            for c in range(_D // 16):
                sl = pl.ds(c * 16, 16)
                lo = rows32[16, sl]
                for r in range(17, 24):
                    lo = lo + rows32[r, sl]
                hi = rows32[24, sl]
                for r in range(25, 32):
                    hi = hi + rows32[r, sl]
                srow[0, sl] = lo * lo_w + hi
            w2 = pltpu.async_copy(srow, out_hbm.at[pl.ds(_CSUM_BASE + s, 1)],
                                  sem2)
            w1.wait()
            w2.wait()

        @pl.when(s == _PI_TILE)
        def _():
            pltpu.sync_copy(pid_hbm, idx32.at[pl.ds(0, 1)])
            i = idx32[...][0]
            pltpu.sync_copy(pp_hbm.at[pl.ds(i, 1)], out_hbm.at[pl.ds(_PI_ROW, 1)])

        @pl.when(s == _U_TILE)
        def _():
            pltpu.sync_copy(uid_hbm, idx32.at[pl.ds(0, 1)])
            i = idx32[...][0]
            pltpu.sync_copy(up_hbm.at[pl.ds(i, 1)], out_hbm.at[pl.ds(_U_ROW, 1)])

    return _sc_gather


def _finish_body(x_ref, o_ref):
    neg = x_ref[0:_NEG, :]
    pi = x_ref[_PI_ROW:_PI_ROW + 1, :]
    u = x_ref[_U_ROW:_U_ROW + 1, :]
    csum = jnp.sum(x_ref[_CSUM_BASE:_CSUM_BASE + _GATHER_TILES, :],
                   axis=0, keepdims=True)

    s = jnp.sum(u * pi)
    t = jnp.sum(csum * pi) / float(_CI)
    dn = (((1,), (1,)), ((), ()))
    a = lax.dot_general(u, neg, dn)
    b = lax.dot_general(csum, neg, dn) / float(_CI)

    score = jax.nn.sigmoid(s) * jax.nn.sigmoid(t)
    neg_score = jax.nn.sigmoid(a) * jax.nn.sigmoid(b)
    loss = -(jnp.log(score) + jnp.sum(jnp.log(1.0 - neg_score)))
    o_ref[0, 0] = loss


_finish = pl.pallas_call(
    _finish_body,
    out_shape=jax.ShapeDtypeStruct((1, 1), jnp.float32),
    out_specs=pl.BlockSpec(memory_space=pltpu.SMEM),
)


def kernel(userid, poii, Ci, neg_p, UserPreference, PoiPreference):
    packed = _make_sc_gather()(
        userid.astype(jnp.int32), poii.astype(jnp.int32),
        Ci.astype(jnp.int32), neg_p.astype(jnp.int32),
        UserPreference, PoiPreference)
    return _finish(packed)[0, 0]

# --- scband reference (transcript-rebuilt; emitter-appended) ---
"""Pipeline reference for scband-lrmodel-12661563588644 (READ-ONLY COPY).

The authoritative reference and input builder live on the scoring server;
editing this copy changes nothing except your own understanding.
"""

import jax, jax.numpy as jnp
import numpy as np

USER_COUNT = 100000
POI_COUNT = 100000
EMB_DIM = 128
CI_LEN = 200
NEG_NUM = 200


def setup_inputs(seed: int = 0) -> dict:
    key = jax.random.key(seed)
    k1, k2, k3, k4, k5, k6 = jax.random.split(key, 6)
    userid = jax.random.randint(k1, (1,), 0, USER_COUNT)
    poii = jax.random.randint(k2, (1,), 0, POI_COUNT)
    Ci = jax.random.randint(k3, (CI_LEN,), 0, POI_COUNT)
    neg_p = jax.random.randint(k4, (NEG_NUM,), 0, POI_COUNT)
    # xavier_normal init: std = sqrt(2 / (fan_in + fan_out))
    std_u = float(np.sqrt(2.0 / (USER_COUNT + EMB_DIM)))
    std_p = float(np.sqrt(2.0 / (POI_COUNT + EMB_DIM)))
    UserPreference = jax.random.normal(k5, (USER_COUNT, EMB_DIM), dtype=jnp.float32) * std_u
    PoiPreference = jax.random.normal(k6, (POI_COUNT, EMB_DIM), dtype=jnp.float32) * std_p
    return {
        "userid": userid,
        "poii": poii,
        "Ci": Ci,
        "neg_p": neg_p,
        "UserPreference": UserPreference,
        "PoiPreference": PoiPreference,
    }


def reference(userid, poii, Ci, neg_p, UserPreference, PoiPreference):
    emb_u = jnp.take(UserPreference, userid, axis=0)        # [1, d]
    emb_pi = jnp.take(PoiPreference, poii, axis=0)          # [1, d]
    neg_emb = jnp.take(PoiPreference, neg_p, axis=0)        # [neg, d]
    emb_Ci = jnp.take(PoiPreference, Ci, axis=0)            # [len(Ci), d]

    score = jnp.sum(emb_u * emb_pi)
    score = jax.nn.sigmoid(score)

    neg_score = jnp.sum(emb_u * neg_emb, axis=1)            # [neg]
    neg_score = jax.nn.sigmoid(neg_score)

    # len(Ci) > 0 branch
    emb_Ci_sum = jnp.sum(emb_Ci, axis=0)                    # [d]
    tmp = jnp.sum(emb_Ci_sum * emb_pi)
    tmp = tmp / float(Ci.shape[0])
    tmp = jax.nn.sigmoid(tmp)
    score = score * tmp

    tmp2 = jnp.sum(emb_Ci_sum * neg_emb, axis=1)            # [neg]
    tmp2 = tmp2 / float(Ci.shape[0])
    tmp2 = jax.nn.sigmoid(tmp2)
    neg_score = neg_score * tmp2

    log_score = jnp.log(score)
    log_neg = jnp.log(1.0 - neg_score)
    return -(log_score + jnp.sum(log_neg))

if __name__ == "__main__":
    import jax
    _d = setup_inputs()
    print(jax.jit(kernel)(*tuple(_d.values())))

</pallas_src>

<mosaic_0001>
#map = affine_map<(d0, d1) -> (0)>
#map1 = affine_map<(d0, d1) -> (0, 0)>
module attributes {stable_mosaic.version = 14 : i64} {
  func.func @_sc_gather(%arg0: i32, %arg1: i32, %arg2: memref<1xi32, #tpu.memory_space<hbm>>, %arg3: memref<1xi32, #tpu.memory_space<hbm>>, %arg4: memref<200xi32, #tpu.memory_space<hbm>>, %arg5: memref<200xi32, #tpu.memory_space<hbm>>, %arg6: memref<100000x128xf32, #tpu.memory_space<hbm>>, %arg7: memref<100000x128xf32, #tpu.memory_space<hbm>>, %arg8: memref<216x128xf32, #tpu.memory_space<hbm>>, %arg9: memref<32xi32, #tpu.memory_space<vmem>>, %arg10: memref<32x128xf32, #tpu.memory_space<vmem>>, %arg11: memref<1x128xf32, #tpu.memory_space<vmem>>, %arg12: memref<!tpu.dma_semaphore, #tpu.memory_space<semaphore_mem>>, %arg13: memref<!tpu.dma_semaphore, #tpu.memory_space<semaphore_mem>>) attributes {dimension_semantics = [#tpu.dimension_semantics<core_parallel>, #tpu.dimension_semantics<subcore_parallel>], iteration_bounds = array<i64: 1, 16>, scalar_prefetch = 0 : i64, scratch_operands = 5 : i64, tpu.core_type = #tpu.core_type<sc_vector_subcore>, window_params = [{transform_indices = #map}, {transform_indices = #map}, {transform_indices = #map}, {transform_indices = #map}, {transform_indices = #map1}, {transform_indices = #map1}, {transform_indices = #map1}]} {
    %lt3A = arith.constant 13 : i32
    %lt3A_0 = arith.cmpi slt, %arg1, %lt3A : i32
    %convert_element_type3A = arith.extui %lt3A_0 : i1 to i32
    %cond3A = arith.constant 0 : i32
    %cond3A_1 = arith.cmpi ne, %convert_element_type3A, %cond3A : i32
    scf.if %cond3A_1 {
      %mul3A = arith.constant 16 : i32
      %mul3A_11 = arith.muli %arg1, %mul3A : i32
      %min3A = arith.constant 184 : i32
      %min3A_12 = arith.minsi %mul3A_11, %min3A : i32
      %dma_start3A = arith.constant 0 : i32
      %dma_start3A_13 = tpu.memref_slice %arg9[%dma_start3A] : memref<32xi32, #tpu.memory_space<vmem>> -> memref<16xi32, #tpu.memory_space<vmem>>
      %dma_start3A_14 = tpu.memref_slice %arg5[%min3A_12] : memref<200xi32, #tpu.memory_space<hbm>> -> memref<16xi32, #tpu.memory_space<hbm>>
      %dma_start3A_15 = arith.constant 0 : i32
      %dma_start3A_16 = tpu.memref_slice %arg9[%dma_start3A_15] : memref<32xi32, #tpu.memory_space<vmem>> -> memref<16xi32, #tpu.memory_space<vmem>>
      %dma_start3A_17 = tpu.memref_slice %arg5[%min3A_12] : memref<200xi32, #tpu.memory_space<hbm>> -> memref<16xi32, #tpu.memory_space<hbm>>
      tpu.enqueue_dma source(%dma_start3A_17 : memref<16xi32, #tpu.memory_space<hbm>>) target(%dma_start3A_16 : memref<16xi32, #tpu.memory_space<vmem>>) target_semaphore(%arg12 : memref<!tpu.dma_semaphore, #tpu.memory_space<semaphore_mem>>)
      %dma_start3A_18 = arith.constant 16 : i32
      %dma_start3A_19 = tpu.memref_slice %arg9[%dma_start3A_18] : memref<32xi32, #tpu.memory_space<vmem>> -> memref<16xi32, #tpu.memory_space<vmem>>
      %dma_start3A_20 = tpu.memref_slice %arg4[%min3A_12] : memref<200xi32, #tpu.memory_space<hbm>> -> memref<16xi32, #tpu.memory_space<hbm>>
      %dma_start3A_21 = arith.constant 16 : i32
      %dma_start3A_22 = tpu.memref_slice %arg9[%dma_start3A_21] : memref<32xi32, #tpu.memory_space<vmem>> -> memref<16xi32, #tpu.memory_space<vmem>>
      %dma_start3A_23 = tpu.memref_slice %arg4[%min3A_12] : memref<200xi32, #tpu.memory_space<hbm>> -> memref<16xi32, #tpu.memory_space<hbm>>
      tpu.enqueue_dma source(%dma_start3A_23 : memref<16xi32, #tpu.memory_space<hbm>>) target(%dma_start3A_22 : memref<16xi32, #tpu.memory_space<vmem>>) target_semaphore(%arg13 : memref<!tpu.dma_semaphore, #tpu.memory_space<semaphore_mem>>)
      %dma_wait3A = arith.constant 0 : i32
      %dma_wait3A_24 = tpu.memref_slice %arg9[%dma_wait3A] : memref<32xi32, #tpu.memory_space<vmem>> -> memref<16xi32, #tpu.memory_space<vmem>>
      %dma_wait3A_25 = tpu.memref_slice %arg5[%min3A_12] : memref<200xi32, #tpu.memory_space<hbm>> -> memref<16xi32, #tpu.memory_space<hbm>>
      %dma_wait3A_26 = arith.constant 0 : i32
      %dma_wait3A_27 = tpu.memref_slice %arg9[%dma_wait3A_26] : memref<32xi32, #tpu.memory_space<vmem>> -> memref<16xi32, #tpu.memory_space<vmem>>
      %dma_wait3A_28 = tpu.memref_slice %arg5[%min3A_12] : memref<200xi32, #tpu.memory_space<hbm>> -> memref<16xi32, #tpu.memory_space<hbm>>
      tpu.wait_dma2 semaphore(%arg12 : memref<!tpu.dma_semaphore, #tpu.memory_space<semaphore_mem>>) src(%dma_wait3A_28 : memref<16xi32, #tpu.memory_space<hbm>>) dst(%dma_wait3A_27 : memref<16xi32, #tpu.memory_space<vmem>>)
      %dma_start3A_29 = arith.constant 0 : i32
      %dma_start3A_30 = arith.constant 0 : i32
      %dma_start3A_31 = tpu.memref_slice %arg10[%dma_start3A_29, %dma_start3A_30] : memref<32x128xf32, #tpu.memory_space<vmem>> -> memref<16x128xf32, #tpu.memory_space<vmem>>
      %dma_start3A_32 = arith.constant 0 : i32
      %dma_start3A_33 = tpu.memref_slice %arg9[%dma_start3A_32] : memref<32xi32, #tpu.memory_space<vmem>> -> memref<16xi32, #tpu.memory_space<vmem>>
      %dma_start3A_34 = arith.constant 0 : i32
      %dma_start3A_35 = arith.constant 0 : i32
      %dma_start3A_36 = tpu.memref_slice %arg7[%dma_start3A_34, %dma_start3A_35] : memref<100000x128xf32, #tpu.memory_space<hbm>> -> memref<100000x128xf32, #tpu.memory_space<hbm>>
      tpu.enqueue_indirect_dma source(%dma_start3A_36 : memref<100000x128xf32, #tpu.memory_space<hbm>>) target(%dma_start3A_31 : memref<16x128xf32, #tpu.memory_space<vmem>>) offsets(%dma_start3A_33 : memref<16xi32, #tpu.memory_space<vmem>>) semaphore(%arg12 : memref<!tpu.dma_semaphore, #tpu.memory_space<semaphore_mem>>)
      %dma_wait3A_37 = arith.constant 16 : i32
      %dma_wait3A_38 = tpu.memref_slice %arg9[%dma_wait3A_37] : memref<32xi32, #tpu.memory_space<vmem>> -> memref<16xi32, #tpu.memory_space<vmem>>
      %dma_wait3A_39 = tpu.memref_slice %arg4[%min3A_12] : memref<200xi32, #tpu.memory_space<hbm>> -> memref<16xi32, #tpu.memory_space<hbm>>
      %dma_wait3A_40 = arith.constant 16 : i32
      %dma_wait3A_41 = tpu.memref_slice %arg9[%dma_wait3A_40] : memref<32xi32, #tpu.memory_space<vmem>> -> memref<16xi32, #tpu.memory_space<vmem>>
      %dma_wait3A_42 = tpu.memref_slice %arg4[%min3A_12] : memref<200xi32, #tpu.memory_space<hbm>> -> memref<16xi32, #tpu.memory_space<hbm>>
      tpu.wait_dma2 semaphore(%arg13 : memref<!tpu.dma_semaphore, #tpu.memory_space<semaphore_mem>>) src(%dma_wait3A_42 : memref<16xi32, #tpu.memory_space<hbm>>) dst(%dma_wait3A_41 : memref<16xi32, #tpu.memory_space<vmem>>)
      %dma_start3A_43 = arith.constant 16 : i32
      %dma_start3A_44 = arith.constant 0 : i32
      %dma_start3A_45 = tpu.memref_slice %arg10[%dma_start3A_43, %dma_start3A_44] : memref<32x128xf32, #tpu.memory_space<vmem>> -> memref<16x128xf32, #tpu.memory_space<vmem>>
      %dma_start3A_46 = arith.constant 16 : i32
      %dma_start3A_47 = tpu.memref_slice %arg9[%dma_start3A_46] : memref<32xi32, #tpu.memory_space<vmem>> -> memref<16xi32, #tpu.memory_space<vmem>>
      %dma_start3A_48 = arith.constant 0 : i32
      %dma_start3A_49 = arith.constant 0 : i32
      %dma_start3A_50 = tpu.memref_slice %arg7[%dma_start3A_48, %dma_start3A_49] : memref<100000x128xf32, #tpu.memory_space<hbm>> -> memref<100000x128xf32, #tpu.memory_space<hbm>>
      tpu.enqueue_indirect_dma source(%dma_start3A_50 : memref<100000x128xf32, #tpu.memory_space<hbm>>) target(%dma_start3A_45 : memref<16x128xf32, #tpu.memory_space<vmem>>) offsets(%dma_start3A_47 : memref<16xi32, #tpu.memory_space<vmem>>) semaphore(%arg13 : memref<!tpu.dma_semaphore, #tpu.memory_space<semaphore_mem>>)
      %dma_wait3A_51 = arith.constant 0 : i32
      %dma_wait3A_52 = arith.constant 0 : i32
      %dma_wait3A_53 = tpu.memref_slice %arg10[%dma_wait3A_51, %dma_wait3A_52] : memref<32x128xf32, #tpu.memory_space<vmem>> -> memref<16x128xf32, #tpu.memory_space<vmem>>
      %dma_wait3A_54 = arith.constant 0 : i32
      %dma_wait3A_55 = tpu.memref_slice %arg9[%dma_wait3A_54] : memref<32xi32, #tpu.memory_space<vmem>> -> memref<16xi32, #tpu.memory_space<vmem>>
      %dma_wait3A_56 = arith.constant 0 : i32
      %dma_wait3A_57 = arith.constant 0 : i32
      %dma_wait3A_58 = tpu.memref_slice %arg7[%dma_wait3A_56, %dma_wait3A_57] : memref<100000x128xf32, #tpu.memory_space<hbm>> -> memref<100000x128xf32, #tpu.memory_space<hbm>>
      tpu.wait_indirect_dma semaphore(%arg12 : memref<!tpu.dma_semaphore, #tpu.memory_space<semaphore_mem>>) src(%dma_wait3A_58 : memref<100000x128xf32, #tpu.memory_space<hbm>>) dst(%dma_wait3A_53 : memref<16x128xf32, #tpu.memory_space<vmem>>)
      %dma_start3A_59 = arith.constant 0 : i32
      %dma_start3A_60 = arith.constant 0 : i32
      %dma_start3A_61 = tpu.memref_slice %arg10[%dma_start3A_59, %dma_start3A_60] : memref<32x128xf32, #tpu.memory_space<vmem>> -> memref<16x128xf32, #tpu.memory_space<vmem>>
      %dma_start3A_62 = arith.constant 0 : i32
      %dma_start3A_63 = tpu.memref_slice %arg8[%min3A_12, %dma_start3A_62] : memref<216x128xf32, #tpu.memory_space<hbm>> -> memref<16x128xf32, #tpu.memory_space<hbm>>
      %dma_start3A_64 = arith.constant 0 : i32
      %dma_start3A_65 = tpu.memref_slice %arg8[%min3A_12, %dma_start3A_64] : memref<216x128xf32, #tpu.memory_space<hbm>> -> memref<16x128xf32, #tpu.memory_space<hbm>>
      %dma_start3A_66 = arith.constant 0 : i32
      %dma_start3A_67 = arith.constant 0 : i32
      %dma_start3A_68 = tpu.memref_slice %arg10[%dma_start3A_66, %dma_start3A_67] : memref<32x128xf32, #tpu.memory_space<vmem>> -> memref<16x128xf32, #tpu.memory_space<vmem>>
      tpu.enqueue_dma source(%dma_start3A_68 : memref<16x128xf32, #tpu.memory_space<vmem>>) target(%dma_start3A_65 : memref<16x128xf32, #tpu.memory_space<hbm>>) target_semaphore(%arg12 : memref<!tpu.dma_semaphore, #tpu.memory_space<semaphore_mem>>)
      %dma_wait3A_69 = arith.constant 16 : i32
      %dma_wait3A_70 = arith.constant 0 : i32
      %dma_wait3A_71 = tpu.memref_slice %arg10[%dma_wait3A_69, %dma_wait3A_70] : memref<32x128xf32, #tpu.memory_space<vmem>> -> memref<16x128xf32, #tpu.memory_space<vmem>>
      %dma_wait3A_72 = arith.constant 16 : i32
      %dma_wait3A_73 = tpu.memref_slice %arg9[%dma_wait3A_72] : memref<32xi32, #tpu.memory_space<vmem>> -> memref<16xi32, #tpu.memory_space<vmem>>
      %dma_wait3A_74 = arith.constant 0 : i32
      %dma_wait3A_75 = arith.constant 0 : i32
      %dma_wait3A_76 = tpu.memref_slice %arg7[%dma_wait3A_74, %dma_wait3A_75] : memref<100000x128xf32, #tpu.memory_space<hbm>> -> memref<100000x128xf32, #tpu.memory_space<hbm>>
      tpu.wait_indirect_dma semaphore(%arg13 : memref<!tpu.dma_semaphore, #tpu.memory_space<semaphore_mem>>) src(%dma_wait3A_76 : memref<100000x128xf32, #tpu.memory_space<hbm>>) dst(%dma_wait3A_71 : memref<16x128xf32, #tpu.memory_space<vmem>>)
      %lt3A_77 = arith.constant 12 : i32
      %lt3A_78 = arith.cmpi slt, %arg1, %lt3A_77 : i32
      %jit3A = arith.constant 1.000000e+00 : f32
      %jit3A_79 = arith.constant 0.000000e+00 : f32
      %select_n3A = arith.select %lt3A_78, %jit3A, %jit3A_79 : f32
      %broadcast_in_dim3A = vector.broadcast %select_n3A : f32 to vector<16xf32>
      %get3A = arith.constant 16 : i32
      %get3A_80 = arith.index_cast %get3A : i32 to index
      %get3A_81 = arith.constant 0 : index
      %get3A_82 = tpu.vector_load %arg10[%get3A_80, %get3A_81] {strides = array<i32>} : memref<32x128xf32, #tpu.memory_space<vmem>>, vector<1x16xf32>,
      %get3A_83 = vector.shape_cast %get3A_82 : vector<1x16xf32> to vector<16xf32>
      %get3A_84 = arith.constant 17 : i32
      %get3A_85 = arith.index_cast %get3A_84 : i32 to index
      %get3A_86 = arith.constant 0 : index
      %get3A_87 = tpu.vector_load %arg10[%get3A_85, %get3A_86] {strides = array<i32>} : memref<32x128xf32, #tpu.memory_space<vmem>>, vector<1x16xf32>,
      %get3A_88 = vector.shape_cast %get3A_87 : vector<1x16xf32> to vector<16xf32>
      %add3A = arith.addf %get3A_83, %get3A_88 : vector<16xf32>
      %get3A_89 = arith.constant 18 : i32
      %get3A_90 = arith.index_cast %get3A_89 : i32 to index
      %get3A_91 = arith.constant 0 : index
      %get3A_92 = tpu.vector_load %arg10[%get3A_90, %get3A_91] {strides = array<i32>} : memref<32x128xf32, #tpu.memory_space<vmem>>, vector<1x16xf32>,
      %get3A_93 = vector.shape_cast %get3A_92 : vector<1x16xf32> to vector<16xf32>
      %add3A_94 = arith.addf %add3A, %get3A_93 : vector<16xf32>
      %get3A_95 = arith.constant 19 : i32
      %get3A_96 = arith.index_cast %get3A_95 : i32 to index
      %get3A_97 = arith.constant 0 : index
      %get3A_98 = tpu.vector_load %arg10[%get3A_96, %get3A_97] {strides = array<i32>} : memref<32x128xf32, #tpu.memory_space<vmem>>, vector<1x16xf32>,
      %get3A_99 = vector.shape_cast %get3A_98 : vector<1x16xf32> to vector<16xf32>
      %add3A_100 = arith.addf %add3A_94, %get3A_99 : vector<16xf32>
      %get3A_101 = arith.constant 20 : i32
      %get3A_102 = arith.index_cast %get3A_101 : i32 to index
      %get3A_103 = arith.constant 0 : index
      %get3A_104 = tpu.vector_load %arg10[%get3A_102, %get3A_103] {strides = array<i32>} : memref<32x128xf32, #tpu.memory_space<vmem>>, vector<1x16xf32>,
      %get3A_105 = vector.shape_cast %get3A_104 : vector<1x16xf32> to vector<16xf32>
      %add3A_106 = arith.addf %add3A_100, %get3A_105 : vector<16xf32>
      %get3A_107 = arith.constant 21 : i32
      %get3A_108 = arith.index_cast %get3A_107 : i32 to index
      %get3A_109 = arith.constant 0 : index
      %get3A_110 = tpu.vector_load %arg10[%get3A_108, %get3A_109] {strides = array<i32>} : memref<32x128xf32, #tpu.memory_space<vmem>>, vector<1x16xf32>,
      %get3A_111 = vector.shape_cast %get3A_110 : vector<1x16xf32> to vector<16xf32>
      %add3A_112 = arith.addf %add3A_106, %get3A_111 : vector<16xf32>
      %get3A_113 = arith.constant 22 : i32
      %get3A_114 = arith.index_cast %get3A_113 : i32 to index
      %get3A_115 = arith.constant 0 : index
      %get3A_116 = tpu.vector_load %arg10[%get3A_114, %get3A_115] {strides = array<i32>} : memref<32x128xf32, #tpu.memory_space<vmem>>, vector<1x16xf32>,
      %get3A_117 = vector.shape_cast %get3A_116 : vector<1x16xf32> to vector<16xf32>
      %add3A_118 = arith.addf %add3A_112, %get3A_117 : vector<16xf32>
      %get3A_119 = arith.constant 23 : i32
      %get3A_120 = arith.index_cast %get3A_119 : i32 to index
      %get3A_121 = arith.constant 0 : index
      %get3A_122 = tpu.vector_load %arg10[%get3A_120, %get3A_121] {strides = array<i32>} : memref<32x128xf32, #tpu.memory_space<vmem>>, vector<1x16xf32>,
      %get3A_123 = vector.shape_cast %get3A_122 : vector<1x16xf32> to vector<16xf32>
      %add3A_124 = arith.addf %add3A_118, %get3A_123 : vector<16xf32>
      %get3A_125 = arith.constant 24 : i32
      %get3A_126 = arith.index_cast %get3A_125 : i32 to index
      %get3A_127 = arith.constant 0 : index
      %get3A_128 = tpu.vector_load %arg10[%get3A_126, %get3A_127] {strides = array<i32>} : memref<32x128xf32, #tpu.memory_space<vmem>>, vector<1x16xf32>,
      %get3A_129 = vector.shape_cast %get3A_128 : vector<1x16xf32> to vector<16xf32>
      %get3A_130 = arith.constant 25 : i32
      %get3A_131 = arith.index_cast %get3A_130 : i32 to index
      %get3A_132 = arith.constant 0 : index
      %get3A_133 = tpu.vector_load %arg10[%get3A_131, %get3A_132] {strides = array<i32>} : memref<32x128xf32, #tpu.memory_space<vmem>>, vector<1x16xf32>,
      %get3A_134 = vector.shape_cast %get3A_133 : vector<1x16xf32> to vector<16xf32>
      %add3A_135 = arith.addf %get3A_129, %get3A_134 : vector<16xf32>
      %get3A_136 = arith.constant 26 : i32
      %get3A_137 = arith.index_cast %get3A_136 : i32 to index
      %get3A_138 = arith.constant 0 : index
      %get3A_139 = tpu.vector_load %arg10[%get3A_137, %get3A_138] {strides = array<i32>} : memref<32x128xf32, #tpu.memory_space<vmem>>, vector<1x16xf32>,
      %get3A_140 = vector.shape_cast %get3A_139 : vector<1x16xf32> to vector<16xf32>
      %add3A_141 = arith.addf %add3A_135, %get3A_140 : vector<16xf32>
      %get3A_142 = arith.constant 27 : i32
      %get3A_143 = arith.index_cast %get3A_142 : i32 to index
      %get3A_144 = arith.constant 0 : index
      %get3A_145 = tpu.vector_load %arg10[%get3A_143, %get3A_144] {strides = array<i32>} : memref<32x128xf32, #tpu.memory_space<vmem>>, vector<1x16xf32>,
      %get3A_146 = vector.shape_cast %get3A_145 : vector<1x16xf32> to vector<16xf32>
      %add3A_147 = arith.addf %add3A_141, %get3A_146 : vector<16xf32>
      %get3A_148 = arith.constant 28 : i32
      %get3A_149 = arith.index_cast %get3A_148 : i32 to index
      %get3A_150 = arith.constant 0 : index
      %get3A_151 = tpu.vector_load %arg10[%get3A_149, %get3A_150] {strides = array<i32>} : memref<32x128xf32, #tpu.memory_space<vmem>>, vector<1x16xf32>,
      %get3A_152 = vector.shape_cast %get3A_151 : vector<1x16xf32> to vector<16xf32>
      %add3A_153 = arith.addf %add3A_147, %get3A_152 : vector<16xf32>
      %get3A_154 = arith.constant 29 : i32
      %get3A_155 = arith.index_cast %get3A_154 : i32 to index
      %get3A_156 = arith.constant 0 : index
      %get3A_157 = tpu.vector_load %arg10[%get3A_155, %get3A_156] {strides = array<i32>} : memref<32x128xf32, #tpu.memory_space<vmem>>, vector<1x16xf32>,
      %get3A_158 = vector.shape_cast %get3A_157 : vector<1x16xf32> to vector<16xf32>
      %add3A_159 = arith.addf %add3A_153, %get3A_158 : vector<16xf32>
      %get3A_160 = arith.constant 30 : i32
      %get3A_161 = arith.index_cast %get3A_160 : i32 to index
      %get3A_162 = arith.constant 0 : index
      %get3A_163 = tpu.vector_load %arg10[%get3A_161, %get3A_162] {strides = array<i32>} : memref<32x128xf32, #tpu.memory_space<vmem>>, vector<1x16xf32>,
      %get3A_164 = vector.shape_cast %get3A_163 : vector<1x16xf32> to vector<16xf32>
      %add3A_165 = arith.addf %add3A_159, %get3A_164 : vector<16xf32>
      %get3A_166 = arith.constant 31 : i32
      %get3A_167 = arith.index_cast %get3A_166 : i32 to index
      %get3A_168 = arith.constant 0 : index
      %get3A_169 = tpu.vector_load %arg10[%get3A_167, %get3A_168] {strides = array<i32>} : memref<32x128xf32, #tpu.memory_space<vmem>>, vector<1x16xf32>,
      %get3A_170 = vector.shape_cast %get3A_169 : vector<1x16xf32> to vector<16xf32>
      %add3A_171 = arith.addf %add3A_165, %get3A_170 : vector<16xf32>
      %mul3A_172 = arith.mulf %add3A_124, %broadcast_in_dim3A : vector<16xf32>
      %add3A_173 = arith.addf %mul3A_172, %add3A_171 : vector<16xf32>
      %swap3A = arith.constant 0 : i32
      %swap3A_174 = arith.index_cast %swap3A : i32 to index
      %swap3A_175 = arith.constant 0 : index
      %swap3A_176 = tpu.vector_load %arg11[%swap3A_174, %swap3A_175] {strides = array<i32>} : memref<1x128xf32, #tpu.memory_space<vmem>>, vector<1x16xf32>,
      %swap3A_177 = vector.shape_cast %swap3A_176 : vector<1x16xf32> to vector<16xf32>
      %swap3A_178 = vector.shape_cast %add3A_173 : vector<16xf32> to vector<1x16xf32>
      tpu.vector_store %arg11[%swap3A_174, %swap3A_175], %swap3A_178 {strides = array<i32>} : memref<1x128xf32, #tpu.memory_space<vmem>>, vector<1x16xf32>,
      %get3A_179 = arith.constant 16 : i32
      %get3A_180 = arith.index_cast %get3A_179 : i32 to index
      %get3A_181 = arith.constant 16 : index
      %get3A_182 = tpu.vector_load %arg10[%get3A_180, %get3A_181] {strides = array<i32>} : memref<32x128xf32, #tpu.memory_space<vmem>>, vector<1x16xf32>,
      %get3A_183 = vector.shape_cast %get3A_182 : vector<1x16xf32> to vector<16xf32>
      %get3A_184 = arith.constant 17 : i32
      %get3A_185 = arith.index_cast %get3A_184 : i32 to index
      %get3A_186 = arith.constant 16 : index
      %get3A_187 = tpu.vector_load %arg10[%get3A_185, %get3A_186] {strides = array<i32>} : memref<32x128xf32, #tpu.memory_space<vmem>>, vector<1x16xf32>,
      %get3A_188 = vector.shape_cast %get3A_187 : vector<1x16xf32> to vector<16xf32>
      %add3A_189 = arith.addf %get3A_183, %get3A_188 : vector<16xf32>
      %get3A_190 = arith.constant 18 : i32
      %get3A_191 = arith.index_cast %get3A_190 : i32 to index
      %get3A_192 = arith.constant 16 : index
      %get3A_193 = tpu.vector_load %arg10[%get3A_191, %get3A_192] {strides = array<i32>} : memref<32x128xf32, #tpu.memory_space<vmem>>, vector<1x16xf32>,
      %get3A_194 = vector.shape_cast %get3A_193 : vector<1x16xf32> to vector<16xf32>
      %add3A_195 = arith.addf %add3A_189, %get3A_194 : vector<16xf32>
      %get3A_196 = arith.constant 19 : i32
      %get3A_197 = arith.index_cast %get3A_196 : i32 to index
      %get3A_198 = arith.constant 16 : index
      %get3A_199 = tpu.vector_load %arg10[%get3A_197, %get3A_198] {strides = array<i32>} : memref<32x128xf32, #tpu.memory_space<vmem>>, vector<1x16xf32>,
      %get3A_200 = vector.shape_cast %get3A_199 : vector<1x16xf32> to vector<16xf32>
      %add3A_201 = arith.addf %add3A_195, %get3A_200 : vector<16xf32>
      %get3A_202 = arith.constant 20 : i32
      %get3A_203 = arith.index_cast %get3A_202 : i32 to index
      %get3A_204 = arith.constant 16 : index
      %get3A_205 = tpu.vector_load %arg10[%get3A_203, %get3A_204] {strides = array<i32>} : memref<32x128xf32, #tpu.memory_space<vmem>>, vector<1x16xf32>,
      %get3A_206 = vector.shape_cast %get3A_205 : vector<1x16xf32> to vector<16xf32>
      %add3A_207 = arith.addf %add3A_201, %get3A_206 : vector<16xf32>
      %get3A_208 = arith.constant 21 : i32
      %get3A_209 = arith.index_cast %get3A_208 : i32 to index
      %get3A_210 = arith.constant 16 : index
      %get3A_211 = tpu.vector_load %arg10[%get3A_209, %get3A_210] {strides = array<i32>} : memref<32x128xf32, #tpu.memory_space<vmem>>, vector<1x16xf32>,
      %get3A_212 = vector.shape_cast %get3A_211 : vector<1x16xf32> to vector<16xf32>
      %add3A_213 = arith.addf %add3A_207, %get3A_212 : vector<16xf32>
      %get3A_214 = arith.constant 22 : i32
      %get3A_215 = arith.index_cast %get3A_214 : i32 to index
      %get3A_216 = arith.constant 16 : index
      %get3A_217 = tpu.vector_load %arg10[%get3A_215, %get3A_216] {strides = array<i32>} : memref<32x128xf32, #tpu.memory_space<vmem>>, vector<1x16xf32>,
      %get3A_218 = vector.shape_cast %get3A_217 : vector<1x16xf32> to vector<16xf32>
      %add3A_219 = arith.addf %add3A_213, %get3A_218 : vector<16xf32>
      %get3A_220 = arith.constant 23 : i32
      %get3A_221 = arith.index_cast %get3A_220 : i32 to index
      %get3A_222 = arith.constant 16 : index
      %get3A_223 = tpu.vector_load %arg10[%get3A_221, %get3A_222] {strides = array<i32>} : memref<32x128xf32, #tpu.memory_space<vmem>>, vector<1x16xf32>,
      %get3A_224 = vector.shape_cast %get3A_223 : vector<1x16xf32> to vector<16xf32>
      %add3A_225 = arith.addf %add3A_219, %get3A_224 : vector<16xf32>
      %get3A_226 = arith.constant 24 : i32
      %get3A_227 = arith.index_cast %get3A_226 : i32 to index
      %get3A_228 = arith.constant 16 : index
      %get3A_229 = tpu.vector_load %arg10[%get3A_227, %get3A_228] {strides = array<i32>} : memref<32x128xf32, #tpu.memory_space<vmem>>, vector<1x16xf32>,
      %get3A_230 = vector.shape_cast %get3A_229 : vector<1x16xf32> to vector<16xf32>
      %get3A_231 = arith.constant 25 : i32
      %get3A_232 = arith.index_cast %get3A_231 : i32 to index
      %get3A_233 = arith.constant 16 : index
      %get3A_234 = tpu.vector_load %arg10[%get3A_232, %get3A_233] {strides = array<i32>} : memref<32x128xf32, #tpu.memory_space<vmem>>, vector<1x16xf32>,
      %get3A_235 = vector.shape_cast %get3A_234 : vector<1x16xf32> to vector<16xf32>
      %add3A_236 = arith.addf %get3A_230, %get3A_235 : vector<16xf32>
      %get3A_237 = arith.constant 26 : i32
      %get3A_238 = arith.index_cast %get3A_237 : i32 to index
      %get3A_239 = arith.constant 16 : index
      %get3A_240 = tpu.vector_load %arg10[%get3A_238, %get3A_239] {strides = array<i32>} : memref<32x128xf32, #tpu.memory_space<vmem>>, vector<1x16xf32>,
      %get3A_241 = vector.shape_cast %get3A_240 : vector<1x16xf32> to vector<16xf32>
      %add3A_242 = arith.addf %add3A_236, %get3A_241 : vector<16xf32>
      %get3A_243 = arith.constant 27 : i32
      %get3A_244 = arith.index_cast %get3A_243 : i32 to index
      %get3A_245 = arith.constant 16 : index
      %get3A_246 = tpu.vector_load %arg10[%get3A_244, %get3A_245] {strides = array<i32>} : memref<32x128xf32, #tpu.memory_space<vmem>>, vector<1x16xf32>,
      %get3A_247 = vector.shape_cast %get3A_246 : vector<1x16xf32> to vector<16xf32>
      %add3A_248 = arith.addf %add3A_242, %get3A_247 : vector<16xf32>
      %get3A_249 = arith.constant 28 : i32
      %get3A_250 = arith.index_cast %get3A_249 : i32 to index
      %get3A_251 = arith.constant 16 : index
      %get3A_252 = tpu.vector_load %arg10[%get3A_250, %get3A_251] {strides = array<i32>} : memref<32x128xf32, #tpu.memory_space<vmem>>, vector<1x16xf32>,
      %get3A_253 = vector.shape_cast %get3A_252 : vector<1x16xf32> to vector<16xf32>
      %add3A_254 = arith.addf %add3A_248, %get3A_253 : vector<16xf32>
      %get3A_255 = arith.constant 29 : i32
      %get3A_256 = arith.index_cast %get3A_255 : i32 to index
      %get3A_257 = arith.constant 16 : index
      %get3A_258 = tpu.vector_load %arg10[%get3A_256, %get3A_257] {strides = array<i32>} : memref<32x128xf32, #tpu.memory_space<vmem>>, vector<1x16xf32>,
      %get3A_259 = vector.shape_cast %get3A_258 : vector<1x16xf32> to vector<16xf32>
      %add3A_260 = arith.addf %add3A_254, %get3A_259 : vector<16xf32>
      %get3A_261 = arith.constant 30 : i32
      %get3A_262 = arith.index_cast %get3A_261 : i32 to index
      %get3A_263 = arith.constant 16 : index
      %get3A_264 = tpu.vector_load %arg10[%get3A_262, %get3A_263] {strides = array<i32>} : memref<32x128xf32, #tpu.memory_space<vmem>>, vector<1x16xf32>,
      %get3A_265 = vector.shape_cast %get3A_264 : vector<1x16xf32> to vector<16xf32>
      %add3A_266 = arith.addf %add3A_260, %get3A_265 : vector<16xf32>
      %get3A_267 = arith.constant 31 : i32
      %get3A_268 = arith.index_cast %get3A_267 : i32 to index
      %get3A_269 = arith.constant 16 : index
      %get3A_270 = tpu.vector_load %arg10[%get3A_268, %get3A_269] {strides = array<i32>} : memref<32x128xf32, #tpu.memory_space<vmem>>, vector<1x16xf32>,
      %get3A_271 = vector.shape_cast %get3A_270 : vector<1x16xf32> to vector<16xf32>
      %add3A_272 = arith.addf %add3A_266, %get3A_271 : vector<16xf32>
      %mul3A_273 = arith.mulf %add3A_225, %broadcast_in_dim3A : vector<16xf32>
      %add3A_274 = arith.addf %mul3A_273, %add3A_272 : vector<16xf32>
      %swap3A_275 = arith.constant 0 : i32
      %swap3A_276 = arith.index_cast %swap3A_275 : i32 to index
      %swap3A_277 = arith.constant 16 : index
      %swap3A_278 = tpu.vector_load %arg11[%swap3A_276, %swap3A_277] {strides = array<i32>} : memref<1x128xf32, #tpu.memory_space<vmem>>, vector<1x16xf32>,
      %swap3A_279 = vector.shape_cast %swap3A_278 : vector<1x16xf32> to vector<16xf32>
      %swap3A_280 = vector.shape_cast %add3A_274 : vector<16xf32> to vector<1x16xf32>
      tpu.vector_store %arg11[%swap3A_276, %swap3A_277], %swap3A_280 {strides = array<i32>} : memref<1x128xf32, #tpu.memory_space<vmem>>, vector<1x16xf32>,
      %get3A_281 = arith.constant 16 : i32
      %get3A_282 = arith.index_cast %get3A_281 : i32 to index
      %get3A_283 = arith.constant 32 : index
      %get3A_284 = tpu.vector_load %arg10[%get3A_282, %get3A_283] {strides = array<i32>} : memref<32x128xf32, #tpu.memory_space<vmem>>, vector<1x16xf32>,
      %get3A_285 = vector.shape_cast %get3A_284 : vector<1x16xf32> to vector<16xf32>
      %get3A_286 = arith.constant 17 : i32
      %get3A_287 = arith.index_cast %get3A_286 : i32 to index
      %get3A_288 = arith.constant 32 : index
      %get3A_289 = tpu.vector_load %arg10[%get3A_287, %get3A_288] {strides = array<i32>} : memref<32x128xf32, #tpu.memory_space<vmem>>, vector<1x16xf32>,
      %get3A_290 = vector.shape_cast %get3A_289 : vector<1x16xf32> to vector<16xf32>
      %add3A_291 = arith.addf %get3A_285, %get3A_290 : vector<16xf32>
      %get3A_292 = arith.constant 18 : i32
      %get3A_293 = arith.index_cast %get3A_292 : i32 to index
      %get3A_294 = arith.constant 32 : index
      %get3A_295 = tpu.vector_load %arg10[%get3A_293, %get3A_294] {strides = array<i32>} : memref<32x128xf32, #tpu.memory_space<vmem>>, vector<1x16xf32>,
      %get3A_296 = vector.shape_cast %get3A_295 : vector<1x16xf32> to vector<16xf32>
      %add3A_297 = arith.addf %add3A_291, %get3A_296 : vector<16xf32>
      %get3A_298 = arith.constant 19 : i32
      %get3A_299 = arith.index_cast %get3A_298 : i32 to index
      %get3A_300 = arith.constant 32 : index
      %get3A_301 = tpu.vector_load %arg10[%get3A_299, %get3A_300] {strides = array<i32>} : memref<32x128xf32, #tpu.memory_space<vmem>>, vector<1x16xf32>,
      %get3A_302 = vector.shape_cast %get3A_301 : vector<1x16xf32> to vector<16xf32>
      %add3A_303 = arith.addf %add3A_297, %get3A_302 : vector<16xf32>
      %get3A_304 = arith.constant 20 : i32
      %get3A_305 = arith.index_cast %get3A_304 : i32 to index
      %get3A_306 = arith.constant 32 : index
      %get3A_307 = tpu.vector_load %arg10[%get3A_305, %get3A_306] {strides = array<i32>} : memref<32x128xf32, #tpu.memory_space<vmem>>, vector<1x16xf32>,
      %get3A_308 = vector.shape_cast %get3A_307 : vector<1x16xf32> to vector<16xf32>
      %add3A_309 = arith.addf %add3A_303, %get3A_308 : vector<16xf32>
      %get3A_310 = arith.constant 21 : i32
      %get3A_311 = arith.index_cast %get3A_310 : i32 to index
      %get3A_312 = arith.constant 32 : index
      %get3A_313 = tpu.vector_load %arg10[%get3A_311, %get3A_312] {strides = array<i32>} : memref<32x128xf32, #tpu.memory_space<vmem>>, vector<1x16xf32>,
      %get3A_314 = vector.shape_cast %get3A_313 : vector<1x16xf32> to vector<16xf32>
      %add3A_315 = arith.addf %add3A_309, %get3A_314 : vector<16xf32>
      %get3A_316 = arith.constant 22 : i32
      %get3A_317 = arith.index_cast %get3A_316 : i32 to index
      %get3A_318 = arith.constant 32 : index
      %get3A_319 = tpu.vector_load %arg10[%get3A_317, %get3A_318] {strides = array<i32>} : memref<32x128xf32, #tpu.memory_space<vmem>>, vector<1x16xf32>,
      %get3A_320 = vector.shape_cast %get3A_319 : vector<1x16xf32> to vector<16xf32>
      %add3A_321 = arith.addf %add3A_315, %get3A_320 : vector<16xf32>
      %get3A_322 = arith.constant 23 : i32
      %get3A_323 = arith.index_cast %get3A_322 : i32 to index
      %get3A_324 = arith.constant 32 : index
      %get3A_325 = tpu.vector_load %arg10[%get3A_323, %get3A_324] {strides = array<i32>} : memref<32x128xf32, #tpu.memory_space<vmem>>, vector<1x16xf32>,
      %get3A_326 = vector.shape_cast %get3A_325 : vector<1x16xf32> to vector<16xf32>
      %add3A_327 = arith.addf %add3A_321, %get3A_326 : vector<16xf32>
      %get3A_328 = arith.constant 24 : i32
      %get3A_329 = arith.index_cast %get3A_328 : i32 to index
      %get3A_330 = arith.constant 32 : index
      %get3A_331 = tpu.vector_load %arg10[%get3A_329, %get3A_330] {strides = array<i32>} : memref<32x128xf32, #tpu.memory_space<vmem>>, vector<1x16xf32>,
      %get3A_332 = vector.shape_cast %get3A_331 : vector<1x16xf32> to vector<16xf32>
      %get3A_333 = arith.constant 25 : i32
      %get3A_334 = arith.index_cast %get3A_333 : i32 to index
      %get3A_335 = arith.constant 32 : index
      %get3A_336 = tpu.vector_load %arg10[%get3A_334, %get3A_335] {strides = array<i32>} : memref<32x128xf32, #tpu.memory_space<vmem>>, vector<1x16xf32>,
      %get3A_337 = vector.shape_cast %get3A_336 : vector<1x16xf32> to vector<16xf32>
      %add3A_338 = arith.addf %get3A_332, %get3A_337 : vector<16xf32>
      %get3A_339 = arith.constant 26 : i32
      %get3A_340 = arith.index_cast %get3A_339 : i32 to index
      %get3A_341 = arith.constant 32 : index
      %get3A_342 = tpu.vector_load %arg10[%get3A_340, %get3A_341] {strides = array<i32>} : memref<32x128xf32, #tpu.memory_space<vmem>>, vector<1x16xf32>,
      %get3A_343 = vector.shape_cast %get3A_342 : vector<1x16xf32> to vector<16xf32>
      %add3A_344 = arith.addf %add3A_338, %get3A_343 : vector<16xf32>
      %get3A_345 = arith.constant 27 : i32
      %get3A_346 = arith.index_cast %get3A_345 : i32 to index
      %get3A_347 = arith.constant 32 : index
      %get3A_348 = tpu.vector_load %arg10[%get3A_346, %get3A_347] {strides = array<i32>} : memref<32x128xf32, #tpu.memory_space<vmem>>, vector<1x16xf32>,
      %get3A_349 = vector.shape_cast %get3A_348 : vector<1x16xf32> to vector<16xf32>
      %add3A_350 = arith.addf %add3A_344, %get3A_349 : vector<16xf32>
      %get3A_351 = arith.constant 28 : i32
      %get3A_352 = arith.index_cast %get3A_351 : i32 to index
      %get3A_353 = arith.constant 32 : index
      %get3A_354 = tpu.vector_load %arg10[%get3A_352, %get3A_353] {strides = array<i32>} : memref<32x128xf32, #tpu.memory_space<vmem>>, vector<1x16xf32>,
      %get3A_355 = vector.shape_cast %get3A_354 : vector<1x16xf32> to vector<16xf32>
      %add3A_356 = arith.addf %add3A_350, %get3A_355 : vector<16xf32>
      %get3A_357 = arith.constant 29 : i32
      %get3A_358 = arith.index_cast %get3A_357 : i32 to index
      %get3A_359 = arith.constant 32 : index
      %get3A_360 = tpu.vector_load %arg10[%get3A_358, %get3A_359] {strides = array<i32>} : memref<32x128xf32, #tpu.memory_space<vmem>>, vector<1x16xf32>,
      %get3A_361 = vector.shape_cast %get3A_360 : vector<1x16xf32> to vector<16xf32>
      %add3A_362 = arith.addf %add3A_356, %get3A_361 : vector<16xf32>
      %get3A_363 = arith.constant 30 : i32
      %get3A_364 = arith.index_cast %get3A_363 : i32 to index
      %get3A_365 = arith.constant 32 : index
      %get3A_366 = tpu.vector_load %arg10[%get3A_364, %get3A_365] {strides = array<i32>} : memref<32x128xf32, #tpu.memory_space<vmem>>, vector<1x16xf32>,
      %get3A_367 = vector.shape_cast %get3A_366 : vector<1x16xf32> to vector<16xf32>
      %add3A_368 = arith.addf %add3A_362, %get3A_367 : vector<16xf32>
      %get3A_369 = arith.constant 31 : i32
      %get3A_370 = arith.index_cast %get3A_369 : i32 to index
      %get3A_371 = arith.constant 32 : index
      %get3A_372 = tpu.vector_load %arg10[%get3A_370, %get3A_371] {strides = array<i32>} : memref<32x128xf32, #tpu.memory_space<vmem>>, vector<1x16xf32>,
      %get3A_373 = vector.shape_cast %get3A_372 : vector<1x16xf32> to vector<16xf32>
      %add3A_374 = arith.addf %add3A_368, %get3A_373 : vector<16xf32>
      %mul3A_375 = arith.mulf %add3A_327, %broadcast_in_dim3A : vector<16xf32>
      %add3A_376 = arith.addf %mul3A_375, %add3A_374 : vector<16xf32>
      %swap3A_377 = arith.constant 0 : i32
      %swap3A_378 = arith.index_cast %swap3A_377 : i32 to index
      %swap3A_379 = arith.constant 32 : index
      %swap3A_380 = tpu.vector_load %arg11[%swap3A_378, %swap3A_379] {strides = array<i32>} : memref<1x128xf32, #tpu.memory_space<vmem>>, vector<1x16xf32>,
      %swap3A_381 = vector.shape_cast %swap3A_380 : vector<1x16xf32> to vector<16xf32>
      %swap3A_382 = vector.shape_cast %add3A_376 : vector<16xf32> to vector<1x16xf32>
      tpu.vector_store %arg11[%swap3A_378, %swap3A_379], %swap3A_382 {strides = array<i32>} : memref<1x128xf32, #tpu.memory_space<vmem>>, vector<1x16xf32>,
      %get3A_383 = arith.constant 16 : i32
      %get3A_384 = arith.index_cast %get3A_383 : i32 to index
      %get3A_385 = arith.constant 48 : index
      %get3A_386 = tpu.vector_load %arg10[%get3A_384, %get3A_385] {strides = array<i32>} : memref<32x128xf32, #tpu.memory_space<vmem>>, vector<1x16xf32>,
      %get3A_387 = vector.shape_cast %get3A_386 : vector<1x16xf32> to vector<16xf32>
      %get3A_388 = arith.constant 17 : i32
      %get3A_389 = arith.index_cast %get3A_388 : i32 to index
      %get3A_390 = arith.constant 48 : index
      %get3A_391 = tpu.vector_load %arg10[%get3A_389, %get3A_390] {strides = array<i32>} : memref<32x128xf32, #tpu.memory_space<vmem>>, vector<1x16xf32>,
      %get3A_392 = vector.shape_cast %get3A_391 : vector<1x16xf32> to vector<16xf32>
      %add3A_393 = arith.addf %get3A_387, %get3A_392 : vector<16xf32>
      %get3A_394 = arith.constant 18 : i32
      %get3A_395 = arith.index_cast %get3A_394 : i32 to index
      %get3A_396 = arith.constant 48 : index
      %get3A_397 = tpu.vector_load %arg10[%get3A_395, %get3A_396] {strides = array<i32>} : memref<32x128xf32, #tpu.memory_space<vmem>>, vector<1x16xf32>,
      %get3A_398 = vector.shape_cast %get3A_397 : vector<1x16xf32> to vector<16xf32>
      %add3A_399 = arith.addf %add3A_393, %get3A_398 : vector<16xf32>
      %get3A_400 = arith.constant 19 : i32
      %get3A_401 = arith.index_cast %get3A_400 : i32 to index
      %get3A_402 = arith.constant 48 : index
      %get3A_403 = tpu.vector_load %arg10[%get3A_401, %get3A_402] {strides = array<i32>} : memref<32x128xf32, #tpu.memory_space<vmem>>, vector<1x16xf32>,
      %get3A_404 = vector.shape_cast %get3A_403 : vector<1x16xf32> to vector<16xf32>
      %add3A_405 = arith.addf %add3A_399, %get3A_404 : vector<16xf32>
      %get3A_406 = arith.constant 20 : i32
      %get3A_407 = arith.index_cast %get3A_406 : i32 to index
      %get3A_408 = arith.constant 48 : index
      %get3A_409 = tpu.vector_load %arg10[%get3A_407, %get3A_408] {strides = array<i32>} : memref<32x128xf32, #tpu.memory_space<vmem>>, vector<1x16xf32>,
      %get3A_410 = vector.shape_cast %get3A_409 : vector<1x16xf32> to vector<16xf32>
      %add3A_411 = arith.addf %add3A_405, %get3A_410 : vector<16xf32>
      %get3A_412 = arith.constant 21 : i32
      %get3A_413 = arith.index_cast %get3A_412 : i32 to index
      %get3A_414 = arith.constant 48 : index
      %get3A_415 = tpu.vector_load %arg10[%get3A_413, %get3A_414] {strides = array<i32>} : memref<32x128xf32, #tpu.memory_space<vmem>>, vector<1x16xf32>,
      %get3A_416 = vector.shape_cast %get3A_415 : vector<1x16xf32> to vector<16xf32>
      %add3A_417 = arith.addf %add3A_411, %get3A_416 : vector<16xf32>
      %get3A_418 = arith.constant 22 : i32
      %get3A_419 = arith.index_cast %get3A_418 : i32 to index
      %get3A_420 = arith.constant 48 : index
      %get3A_421 = tpu.vector_load %arg10[%get3A_419, %get3A_420] {strides = array<i32>} : memref<32x128xf32, #tpu.memory_space<vmem>>, vector<1x16xf32>,
      %get3A_422 = vector.shape_cast %get3A_421 : vector<1x16xf32> to vector<16xf32>
      %add3A_423 = arith.addf %add3A_417, %get3A_422 : vector<16xf32>
      %get3A_424 = arith.constant 23 : i32
      %get3A_425 = arith.index_cast %get3A_424 : i32 to index
      %get3A_426 = arith.constant 48 : index
      %get3A_427 = tpu.vector_load %arg10[%get3A_425, %get3A_426] {strides = array<i32>} : memref<32x128xf32, #tpu.memory_space<vmem>>, vector<1x16xf32>,
      %get3A_428 = vector.shape_cast %get3A_427 : vector<1x16xf32> to vector<16xf32>
      %add3A_429 = arith.addf %add3A_423, %get3A_428 : vector<16xf32>
      %get3A_430 = arith.constant 24 : i32
      %get3A_431 = arith.index_cast %get3A_430 : i32 to index
      %get3A_432 = arith.constant 48 : index
      %get3A_433 = tpu.vector_load %arg10[%get3A_431, %get3A_432] {strides = array<i32>} : memref<32x128xf32, #tpu.memory_space<vmem>>, vector<1x16xf32>,
      %get3A_434 = vector.shape_cast %get3A_433 : vector<1x16xf32> to vector<16xf32>
      %get3A_435 = arith.constant 25 : i32
      %get3A_436 = arith.index_cast %get3A_435 : i32 to index
      %get3A_437 = arith.constant 48 : index
      %get3A_438 = tpu.vector_load %arg10[%get3A_436, %get3A_437] {strides = array<i32>} : memref<32x128xf32, #tpu.memory_space<vmem>>, vector<1x16xf32>,
      %get3A_439 = vector.shape_cast %get3A_438 : vector<1x16xf32> to vector<16xf32>
      %add3A_440 = arith.addf %get3A_434, %get3A_439 : vector<16xf32>
      %get3A_441 = arith.constant 26 : i32
      %get3A_442 = arith.index_cast %get3A_441 : i32 to index
      %get3A_443 = arith.constant 48 : index
      %get3A_444 = tpu.vector_load %arg10[%get3A_442, %get3A_443] {strides = array<i32>} : memref<32x128xf32, #tpu.memory_space<vmem>>, vector<1x16xf32>,
      %get3A_445 = vector.shape_cast %get3A_444 : vector<1x16xf32> to vector<16xf32>
      %add3A_446 = arith.addf %add3A_440, %get3A_445 : vector<16xf32>
      %get3A_447 = arith.constant 27 : i32
      %get3A_448 = arith.index_cast %get3A_447 : i32 to index
      %get3A_449 = arith.constant 48 : index
      %get3A_450 = tpu.vector_load %arg10[%get3A_448, %get3A_449] {strides = array<i32>} : memref<32x128xf32, #tpu.memory_space<vmem>>, vector<1x16xf32>,
      %get3A_451 = vector.shape_cast %get3A_450 : vector<1x16xf32> to vector<16xf32>
      %add3A_452 = arith.addf %add3A_446, %get3A_451 : vector<16xf32>
      %get3A_453 = arith.constant 28 : i32
      %get3A_454 = arith.index_cast %get3A_453 : i32 to index
      %get3A_455 = arith.constant 48 : index
      %get3A_456 = tpu.vector_load %arg10[%get3A_454, %get3A_455] {strides = array<i32>} : memref<32x128xf32, #tpu.memory_space<vmem>>, vector<1x16xf32>,
      %get3A_457 = vector.shape_cast %get3A_456 : vector<1x16xf32> to vector<16xf32>
      %add3A_458 = arith.addf %add3A_452, %get3A_457 : vector<16xf32>
      %get3A_459 = arith.constant 29 : i32
      %get3A_460 = arith.index_cast %get3A_459 : i32 to index
      %get3A_461 = arith.constant 48 : index
      %get3A_462 = tpu.vector_load %arg10[%get3A_460, %get3A_461] {strides = array<i32>} : memref<32x128xf32, #tpu.memory_space<vmem>>, vector<1x16xf32>,
      %get3A_463 = vector.shape_cast %get3A_462 : vector<1x16xf32> to vector<16xf32>
      %add3A_464 = arith.addf %add3A_458, %get3A_463 : vector<16xf32>
      %get3A_465 = arith.constant 30 : i32
      %get3A_466 = arith.index_cast %get3A_465 : i32 to index
      %get3A_467 = arith.constant 48 : index
      %get3A_468 = tpu.vector_load %arg10[%get3A_466, %get3A_467] {strides = array<i32>} : memref<32x128xf32, #tpu.memory_space<vmem>>, vector<1x16xf32>,
      %get3A_469 = vector.shape_cast %get3A_468 : vector<1x16xf32> to vector<16xf32>
      %add3A_470 = arith.addf %add3A_464, %get3A_469 : vector<16xf32>
      %get3A_471 = arith.constant 31 : i32
      %get3A_472 = arith.index_cast %get3A_471 : i32 to index
      %get3A_473 = arith.constant 48 : index
      %get3A_474 = tpu.vector_load %arg10[%get3A_472, %get3A_473] {strides = array<i32>} : memref<32x128xf32, #tpu.memory_space<vmem>>, vector<1x16xf32>,
      %get3A_475 = vector.shape_cast %get3A_474 : vector<1x16xf32> to vector<16xf32>
      %add3A_476 = arith.addf %add3A_470, %get3A_475 : vector<16xf32>
      %mul3A_477 = arith.mulf %add3A_429, %broadcast_in_dim3A : vector<16xf32>
      %add3A_478 = arith.addf %mul3A_477, %add3A_476 : vector<16xf32>
      %swap3A_479 = arith.constant 0 : i32
      %swap3A_480 = arith.index_cast %swap3A_479 : i32 to index
      %swap3A_481 = arith.constant 48 : index
      %swap3A_482 = tpu.vector_load %arg11[%swap3A_480, %swap3A_481] {strides = array<i32>} : memref<1x128xf32, #tpu.memory_space<vmem>>, vector<1x16xf32>,
      %swap3A_483 = vector.shape_cast %swap3A_482 : vector<1x16xf32> to vector<16xf32>
      %swap3A_484 = vector.shape_cast %add3A_478 : vector<16xf32> to vector<1x16xf32>
      tpu.vector_store %arg11[%swap3A_480, %swap3A_481], %swap3A_484 {strides = array<i32>} : memref<1x128xf32, #tpu.memory_space<vmem>>, vector<1x16xf32>,
      %get3A_485 = arith.constant 16 : i32
      %get3A_486 = arith.index_cast %get3A_485 : i32 to index
      %get3A_487 = arith.constant 64 : index
      %get3A_488 = tpu.vector_load %arg10[%get3A_486, %get3A_487] {strides = array<i32>} : memref<32x128xf32, #tpu.memory_space<vmem>>, vector<1x16xf32>,
      %get3A_489 = vector.shape_cast %get3A_488 : vector<1x16xf32> to vector<16xf32>
      %get3A_490 = arith.constant 17 : i32
      %get3A_491 = arith.index_cast %get3A_490 : i32 to index
      %get3A_492 = arith.constant 64 : index
      %get3A_493 = tpu.vector_load %arg10[%get3A_491, %get3A_492] {strides = array<i32>} : memref<32x128xf32, #tpu.memory_space<vmem>>, vector<1x16xf32>,
      %get3A_494 = vector.shape_cast %get3A_493 : vector<1x16xf32> to vector<16xf32>
      %add3A_495 = arith.addf %get3A_489, %get3A_494 : vector<16xf32>
      %get3A_496 = arith.constant 18 : i32
      %get3A_497 = arith.index_cast %get3A_496 : i32 to index
      %get3A_498 = arith.constant 64 : index
      %get3A_499 = tpu.vector_load %arg10[%get3A_497, %get3A_498] {strides = array<i32>} : memref<32x128xf32, #tpu.memory_space<vmem>>, vector<1x16xf32>,
      %get3A_500 = vector.shape_cast %get3A_499 : vector<1x16xf32> to vector<16xf32>
      %add3A_501 = arith.addf %add3A_495, %get3A_500 : vector<16xf32>
      %get3A_502 = arith.constant 19 : i32
      %get3A_503 = arith.index_cast %get3A_502 : i32 to index
      %get3A_504 = arith.constant 64 : index
      %get3A_505 = tpu.vector_load %arg10[%get3A_503, %get3A_504] {strides = array<i32>} : memref<32x128xf32, #tpu.memory_space<vmem>>, vector<1x16xf32>,
      %get3A_506 = vector.shape_cast %get3A_505 : vector<1x16xf32> to vector<16xf32>
      %add3A_507 = arith.addf %add3A_501, %get3A_506 : vector<16xf32>
      %get3A_508 = arith.constant 20 : i32
      %get3A_509 = arith.index_cast %get3A_508 : i32 to index
      %get3A_510 = arith.constant 64 : index
      %get3A_511 = tpu.vector_load %arg10[%get3A_509, %get3A_510] {strides = array<i32>} : memref<32x128xf32, #tpu.memory_space<vmem>>, vector<1x16xf32>,
      %get3A_512 = vector.shape_cast %get3A_511 : vector<1x16xf32> to vector<16xf32>
      %add3A_513 = arith.addf %add3A_507, %get3A_512 : vector<16xf32>
      %get3A_514 = arith.constant 21 : i32
      %get3A_515 = arith.index_cast %get3A_514 : i32 to index
      %get3A_516 = arith.constant 64 : index
      %get3A_517 = tpu.vector_load %arg10[%get3A_515, %get3A_516] {strides = array<i32>} : memref<32x128xf32, #tpu.memory_space<vmem>>, vector<1x16xf32>,
      %get3A_518 = vector.shape_cast %get3A_517 : vector<1x16xf32> to vector<16xf32>
      %add3A_519 = arith.addf %add3A_513, %get3A_518 : vector<16xf32>
      %get3A_520 = arith.constant 22 : i32
      %get3A_521 = arith.index_cast %get3A_520 : i32 to index
      %get3A_522 = arith.constant 64 : index
      %get3A_523 = tpu.vector_load %arg10[%get3A_521, %get3A_522] {strides = array<i32>} : memref<32x128xf32, #tpu.memory_space<vmem>>, vector<1x16xf32>,
      %get3A_524 = vector.shape_cast %get3A_523 : vector<1x16xf32> to vector<16xf32>
      %add3A_525 = arith.addf %add3A_519, %get3A_524 : vector<16xf32>
      %get3A_526 = arith.constant 23 : i32
      %get3A_527 = arith.index_cast %get3A_526 : i32 to index
      %get3A_528 = arith.constant 64 : index
      %get3A_529 = tpu.vector_load %arg10[%get3A_527, %get3A_528] {strides = array<i32>} : memref<32x128xf32, #tpu.memory_space<vmem>>, vector<1x16xf32>,
      %get3A_530 = vector.shape_cast %get3A_529 : vector<1x16xf32> to vector<16xf32>
      %add3A_531 = arith.addf %add3A_525, %get3A_530 : vector<16xf32>
      %get3A_532 = arith.constant 24 : i32
      %get3A_533 = arith.index_cast %get3A_532 : i32 to index
      %get3A_534 = arith.constant 64 : index
      %get3A_535 = tpu.vector_load %arg10[%get3A_533, %get3A_534] {strides = array<i32>} : memref<32x128xf32, #tpu.memory_space<vmem>>, vector<1x16xf32>,
      %get3A_536 = vector.shape_cast %get3A_535 : vector<1x16xf32> to vector<16xf32>
      %get3A_537 = arith.constant 25 : i32
      %get3A_538 = arith.index_cast %get3A_537 : i32 to index
      %get3A_539 = arith.constant 64 : index
      %get3A_540 = tpu.vector_load %arg10[%get3A_538, %get3A_539] {strides = array<i32>} : memref<32x128xf32, #tpu.memory_space<vmem>>, vector<1x16xf32>,
      %get3A_541 = vector.shape_cast %get3A_540 : vector<1x16xf32> to vector<16xf32>
      %add3A_542 = arith.addf %get3A_536, %get3A_541 : vector<16xf32>
      %get3A_543 = arith.constant 26 : i32
      %get3A_544 = arith.index_cast %get3A_543 : i32 to index
      %get3A_545 = arith.constant 64 : index
      %get3A_546 = tpu.vector_load %arg10[%get3A_544, %get3A_545] {strides = array<i32>} : memref<32x128xf32, #tpu.memory_space<vmem>>, vector<1x16xf32>,
      %get3A_547 = vector.shape_cast %get3A_546 : vector<1x16xf32> to vector<16xf32>
      %add3A_548 = arith.addf %add3A_542, %get3A_547 : vector<16xf32>
      %get3A_549 = arith.constant 27 : i32
      %get3A_550 = arith.index_cast %get3A_549 : i32 to index
      %get3A_551 = arith.constant 64 : index
      %get3A_552 = tpu.vector_load %arg10[%get3A_550, %get3A_551] {strides = array<i32>} : memref<32x128xf32, #tpu.memory_space<vmem>>, vector<1x16xf32>,
      %get3A_553 = vector.shape_cast %get3A_552 : vector<1x16xf32> to vector<16xf32>
      %add3A_554 = arith.addf %add3A_548, %get3A_553 : vector<16xf32>
      %get3A_555 = arith.constant 28 : i32
      %get3A_556 = arith.index_cast %get3A_555 : i32 to index
      %get3A_557 = arith.constant 64 : index
      %get3A_558 = tpu.vector_load %arg10[%get3A_556, %get3A_557] {strides = array<i32>} : memref<32x128xf32, #tpu.memory_space<vmem>>, vector<1x16xf32>,
      %get3A_559 = vector.shape_cast %get3A_558 : vector<1x16xf32> to vector<16xf32>
      %add3A_560 = arith.addf %add3A_554, %get3A_559 : vector<16xf32>
      %get3A_561 = arith.constant 29 : i32
      %get3A_562 = arith.index_cast %get3A_561 : i32 to index
      %get3A_563 = arith.constant 64 : index
      %get3A_564 = tpu.vector_load %arg10[%get3A_562, %get3A_563] {strides = array<i32>} : memref<32x128xf32, #tpu.memory_space<vmem>>, vector<1x16xf32>,
      %get3A_565 = vector.shape_cast %get3A_564 : vector<1x16xf32> to vector<16xf32>
      %add3A_566 = arith.addf %add3A_560, %get3A_565 : vector<16xf32>
      %get3A_567 = arith.constant 30 : i32
      %get3A_568 = arith.index_cast %get3A_567 : i32 to index
      %get3A_569 = arith.constant 64 : index
      %get3A_570 = tpu.vector_load %arg10[%get3A_568, %get3A_569] {strides = array<i32>} : memref<32x128xf32, #tpu.memory_space<vmem>>, vector<1x16xf32>,
      %get3A_571 = vector.shape_cast %get3A_570 : vector<1x16xf32> to vector<16xf32>
      %add3A_572 = arith.addf %add3A_566, %get3A_571 : vector<16xf32>
      %get3A_573 = arith.constant 31 : i32
      %get3A_574 = arith.index_cast %get3A_573 : i32 to index
      %get3A_575 = arith.constant 64 : index
      %get3A_576 = tpu.vector_load %arg10[%get3A_574, %get3A_575] {strides = array<i32>} : memref<32x128xf32, #tpu.memory_space<vmem>>, vector<1x16xf32>,
      %get3A_577 = vector.shape_cast %get3A_576 : vector<1x16xf32> to vector<16xf32>
      %add3A_578 = arith.addf %add3A_572, %get3A_577 : vector<16xf32>
      %mul3A_579 = arith.mulf %add3A_531, %broadcast_in_dim3A : vector<16xf32>
      %add3A_580 = arith.addf %mul3A_579, %add3A_578 : vector<16xf32>
      %swap3A_581 = arith.constant 0 : i32
      %swap3A_582 = arith.index_cast %swap3A_581 : i32 to index
      %swap3A_583 = arith.constant 64 : index
      %swap3A_584 = tpu.vector_load %arg11[%swap3A_582, %swap3A_583] {strides = array<i32>} : memref<1x128xf32, #tpu.memory_space<vmem>>, vector<1x16xf32>,
      %swap3A_585 = vector.shape_cast %swap3A_584 : vector<1x16xf32> to vector<16xf32>
      %swap3A_586 = vector.shape_cast %add3A_580 : vector<16xf32> to vector<1x16xf32>
      tpu.vector_store %arg11[%swap3A_582, %swap3A_583], %swap3A_586 {strides = array<i32>} : memref<1x128xf32, #tpu.memory_space<vmem>>, vector<1x16xf32>,
      %get3A_587 = arith.constant 16 : i32
      %get3A_588 = arith.index_cast %get3A_587 : i32 to index
      %get3A_589 = arith.constant 80 : index
      %get3A_590 = tpu.vector_load %arg10[%get3A_588, %get3A_589] {strides = array<i32>} : memref<32x128xf32, #tpu.memory_space<vmem>>, vector<1x16xf32>,
      %get3A_591 = vector.shape_cast %get3A_590 : vector<1x16xf32> to vector<16xf32>
      %get3A_592 = arith.constant 17 : i32
      %get3A_593 = arith.index_cast %get3A_592 : i32 to index
      %get3A_594 = arith.constant 80 : index
      %get3A_595 = tpu.vector_load %arg10[%get3A_593, %get3A_594] {strides = array<i32>} : memref<32x128xf32, #tpu.memory_space<vmem>>, vector<1x16xf32>,
      %get3A_596 = vector.shape_cast %get3A_595 : vector<1x16xf32> to vector<16xf32>
      %add3A_597 = arith.addf %get3A_591, %get3A_596 : vector<16xf32>
      %get3A_598 = arith.constant 18 : i32
      %get3A_599 = arith.index_cast %get3A_598 : i32 to index
      %get3A_600 = arith.constant 80 : index
      %get3A_601 = tpu.vector_load %arg10[%get3A_599, %get3A_600] {strides = array<i32>} : memref<32x128xf32, #tpu.memory_space<vmem>>, vector<1x16xf32>,
      %get3A_602 = vector.shape_cast %get3A_601 : vector<1x16xf32> to vector<16xf32>
      %add3A_603 = arith.addf %add3A_597, %get3A_602 : vector<16xf32>
      %get3A_604 = arith.constant 19 : i32
      %get3A_605 = arith.index_cast %get3A_604 : i32 to index
      %get3A_606 = arith.constant 80 : index
      %get3A_607 = tpu.vector_load %arg10[%get3A_605, %get3A_606] {strides = array<i32>} : memref<32x128xf32, #tpu.memory_space<vmem>>, vector<1x16xf32>,
      %get3A_608 = vector.shape_cast %get3A_607 : vector<1x16xf32> to vector<16xf32>
      %add3A_609 = arith.addf %add3A_603, %get3A_608 : vector<16xf32>
      %get3A_610 = arith.constant 20 : i32
      %get3A_611 = arith.index_cast %get3A_610 : i32 to index
      %get3A_612 = arith.constant 80 : index
      %get3A_613 = tpu.vector_load %arg10[%get3A_611, %get3A_612] {strides = array<i32>} : memref<32x128xf32, #tpu.memory_space<vmem>>, vector<1x16xf32>,
      %get3A_614 = vector.shape_cast %get3A_613 : vector<1x16xf32> to vector<16xf32>
      %add3A_615 = arith.addf %add3A_609, %get3A_614 : vector<16xf32>
      %get3A_616 = arith.constant 21 : i32
      %get3A_617 = arith.index_cast %get3A_616 : i32 to index
      %get3A_618 = arith.constant 80 : index
      %get3A_619 = tpu.vector_load %arg10[%get3A_617, %get3A_618] {strides = array<i32>} : memref<32x128xf32, #tpu.memory_space<vmem>>, vector<1x16xf32>,
      %get3A_620 = vector.shape_cast %get3A_619 : vector<1x16xf32> to vector<16xf32>
      %add3A_621 = arith.addf %add3A_615, %get3A_620 : vector<16xf32>
      %get3A_622 = arith.constant 22 : i32
      %get3A_623 = arith.index_cast %get3A_622 : i32 to index
      %get3A_624 = arith.constant 80 : index
      %get3A_625 = tpu.vector_load %arg10[%get3A_623, %get3A_624] {strides = array<i32>} : memref<32x128xf32, #tpu.memory_space<vmem>>, vector<1x16xf32>,
      %get3A_626 = vector.shape_cast %get3A_625 : vector<1x16xf32> to vector<16xf32>
      %add3A_627 = arith.addf %add3A_621, %get3A_626 : vector<16xf32>
      %get3A_628 = arith.constant 23 : i32
      %get3A_629 = arith.index_cast %get3A_628 : i32 to index
      %get3A_630 = arith.constant 80 : index
      %get3A_631 = tpu.vector_load %arg10[%get3A_629, %get3A_630] {strides = array<i32>} : memref<32x128xf32, #tpu.memory_space<vmem>>, vector<1x16xf32>,
      %get3A_632 = vector.shape_cast %get3A_631 : vector<1x16xf32> to vector<16xf32>
      %add3A_633 = arith.addf %add3A_627, %get3A_632 : vector<16xf32>
      %get3A_634 = arith.constant 24 : i32
      %get3A_635 = arith.index_cast %get3A_634 : i32 to index
      %get3A_636 = arith.constant 80 : index
      %get3A_637 = tpu.vector_load %arg10[%get3A_635, %get3A_636] {strides = array<i32>} : memref<32x128xf32, #tpu.memory_space<vmem>>, vector<1x16xf32>,
      %get3A_638 = vector.shape_cast %get3A_637 : vector<1x16xf32> to vector<16xf32>
      %get3A_639 = arith.constant 25 : i32
      %get3A_640 = arith.index_cast %get3A_639 : i32 to index
      %get3A_641 = arith.constant 80 : index
      %get3A_642 = tpu.vector_load %arg10[%get3A_640, %get3A_641] {strides = array<i32>} : memref<32x128xf32, #tpu.memory_space<vmem>>, vector<1x16xf32>,
      %get3A_643 = vector.shape_cast %get3A_642 : vector<1x16xf32> to vector<16xf32>
      %add3A_644 = arith.addf %get3A_638, %get3A_643 : vector<16xf32>
      %get3A_645 = arith.constant 26 : i32
      %get3A_646 = arith.index_cast %get3A_645 : i32 to index
      %get3A_647 = arith.constant 80 : index
      %get3A_648 = tpu.vector_load %arg10[%get3A_646, %get3A_647] {strides = array<i32>} : memref<32x128xf32, #tpu.memory_space<vmem>>, vector<1x16xf32>,
      %get3A_649 = vector.shape_cast %get3A_648 : vector<1x16xf32> to vector<16xf32>
      %add3A_650 = arith.addf %add3A_644, %get3A_649 : vector<16xf32>
      %get3A_651 = arith.constant 27 : i32
      %get3A_652 = arith.index_cast %get3A_651 : i32 to index
      %get3A_653 = arith.constant 80 : index
      %get3A_654 = tpu.vector_load %arg10[%get3A_652, %get3A_653] {strides = array<i32>} : memref<32x128xf32, #tpu.memory_space<vmem>>, vector<1x16xf32>,
      %get3A_655 = vector.shape_cast %get3A_654 : vector<1x16xf32> to vector<16xf32>
      %add3A_656 = arith.addf %add3A_650, %get3A_655 : vector<16xf32>
      %get3A_657 = arith.constant 28 : i32
      %get3A_658 = arith.index_cast %get3A_657 : i32 to index
      %get3A_659 = arith.constant 80 : index
      %get3A_660 = tpu.vector_load %arg10[%get3A_658, %get3A_659] {strides = array<i32>} : memref<32x128xf32, #tpu.memory_space<vmem>>, vector<1x16xf32>,
      %get3A_661 = vector.shape_cast %get3A_660 : vector<1x16xf32> to vector<16xf32>
      %add3A_662 = arith.addf %add3A_656, %get3A_661 : vector<16xf32>
      %get3A_663 = arith.constant 29 : i32
      %get3A_664 = arith.index_cast %get3A_663 : i32 to index
      %get3A_665 = arith.constant 80 : index
      %get3A_666 = tpu.vector_load %arg10[%get3A_664, %get3A_665] {strides = array<i32>} : memref<32x128xf32, #tpu.memory_space<vmem>>, vector<1x16xf32>,
      %get3A_667 = vector.shape_cast %get3A_666 : vector<1x16xf32> to vector<16xf32>
      %add3A_668 = arith.addf %add3A_662, %get3A_667 : vector<16xf32>
      %get3A_669 = arith.constant 30 : i32
      %get3A_670 = arith.index_cast %get3A_669 : i32 to index
      %get3A_671 = arith.constant 80 : index
      %get3A_672 = tpu.vector_load %arg10[%get3A_670, %get3A_671] {strides = array<i32>} : memref<32x128xf32, #tpu.memory_space<vmem>>, vector<1x16xf32>,
      %get3A_673 = vector.shape_cast %get3A_672 : vector<1x16xf32> to vector<16xf32>
      %add3A_674 = arith.addf %add3A_668, %get3A_673 : vector<16xf32>
      %get3A_675 = arith.constant 31 : i32
      %get3A_676 = arith.index_cast %get3A_675 : i32 to index
      %get3A_677 = arith.constant 80 : index
      %get3A_678 = tpu.vector_load %arg10[%get3A_676, %get3A_677] {strides = array<i32>} : memref<32x128xf32, #tpu.memory_space<vmem>>, vector<1x16xf32>,
      %get3A_679 = vector.shape_cast %get3A_678 : vector<1x16xf32> to vector<16xf32>
      %add3A_680 = arith.addf %add3A_674, %get3A_679 : vector<16xf32>
      %mul3A_681 = arith.mulf %add3A_633, %broadcast_in_dim3A : vector<16xf32>
      %add3A_682 = arith.addf %mul3A_681, %add3A_680 : vector<16xf32>
      %swap3A_683 = arith.constant 0 : i32
      %swap3A_684 = arith.index_cast %swap3A_683 : i32 to index
      %swap3A_685 = arith.constant 80 : index
      %swap3A_686 = tpu.vector_load %arg11[%swap3A_684, %swap3A_685] {strides = array<i32>} : memref<1x128xf32, #tpu.memory_space<vmem>>, vector<1x16xf32>,
      %swap3A_687 = vector.shape_cast %swap3A_686 : vector<1x16xf32> to vector<16xf32>
      %swap3A_688 = vector.shape_cast %add3A_682 : vector<16xf32> to vector<1x16xf32>
      tpu.vector_store %arg11[%swap3A_684, %swap3A_685], %swap3A_688 {strides = array<i32>} : memref<1x128xf32, #tpu.memory_space<vmem>>, vector<1x16xf32>,
      %get3A_689 = arith.constant 16 : i32
      %get3A_690 = arith.index_cast %get3A_689 : i32 to index
      %get3A_691 = arith.constant 96 : index
      %get3A_692 = tpu.vector_load %arg10[%get3A_690, %get3A_691] {strides = array<i32>} : memref<32x128xf32, #tpu.memory_space<vmem>>, vector<1x16xf32>,
      %get3A_693 = vector.shape_cast %get3A_692 : vector<1x16xf32> to vector<16xf32>
      %get3A_694 = arith.constant 17 : i32
      %get3A_695 = arith.index_cast %get3A_694 : i32 to index
      %get3A_696 = arith.constant 96 : index
      %get3A_697 = tpu.vector_load %arg10[%get3A_695, %get3A_696] {strides = array<i32>} : memref<32x128xf32, #tpu.memory_space<vmem>>, vector<1x16xf32>,
      %get3A_698 = vector.shape_cast %get3A_697 : vector<1x16xf32> to vector<16xf32>
      %add3A_699 = arith.addf %get3A_693, %get3A_698 : vector<16xf32>
      %get3A_700 = arith.constant 18 : i32
      %get3A_701 = arith.index_cast %get3A_700 : i32 to index
      %get3A_702 = arith.constant 96 : index
      %get3A_703 = tpu.vector_load %arg10[%get3A_701, %get3A_702] {strides = array<i32>} : memref<32x128xf32, #tpu.memory_space<vmem>>, vector<1x16xf32>,
      %get3A_704 = vector.shape_cast %get3A_703 : vector<1x16xf32> to vector<16xf32>
      %add3A_705 = arith.addf %add3A_699, %get3A_704 : vector<16xf32>
      %get3A_706 = arith.constant 19 : i32
      %get3A_707 = arith.index_cast %get3A_706 : i32 to index
      %get3A_708 = arith.constant 96 : index
      %get3A_709 = tpu.vector_load %arg10[%get3A_707, %get3A_708] {strides = array<i32>} : memref<32x128xf32, #tpu.memory_space<vmem>>, vector<1x16xf32>,
      %get3A_710 = vector.shape_cast %get3A_709 : vector<1x16xf32> to vector<16xf32>
      %add3A_711 = arith.addf %add3A_705, %get3A_710 : vector<16xf32>
      %get3A_712 = arith.constant 20 : i32
      %get3A_713 = arith.index_cast %get3A_712 : i32 to index
      %get3A_714 = arith.constant 96 : index
      %get3A_715 = tpu.vector_load %arg10[%get3A_713, %get3A_714] {strides = array<i32>} : memref<32x128xf32, #tpu.memory_space<vmem>>, vector<1x16xf32>,
      %get3A_716 = vector.shape_cast %get3A_715 : vector<1x16xf32> to vector<16xf32>
      %add3A_717 = arith.addf %add3A_711, %get3A_716 : vector<16xf32>
      %get3A_718 = arith.constant 21 : i32
      %get3A_719 = arith.index_cast %get3A_718 : i32 to index
      %get3A_720 = arith.constant 96 : index
      %get3A_721 = tpu.vector_load %arg10[%get3A_719, %get3A_720] {strides = array<i32>} : memref<32x128xf32, #tpu.memory_space<vmem>>, vector<1x16xf32>,
      %get3A_722 = vector.shape_cast %get3A_721 : vector<1x16xf32> to vector<16xf32>
      %add3A_723 = arith.addf %add3A_717, %get3A_722 : vector<16xf32>
      %get3A_724 = arith.constant 22 : i32
      %get3A_725 = arith.index_cast %get3A_724 : i32 to index
      %get3A_726 = arith.constant 96 : index
      %get3A_727 = tpu.vector_load %arg10[%get3A_725, %get3A_726] {strides = array<i32>} : memref<32x128xf32, #tpu.memory_space<vmem>>, vector<1x16xf32>,
      %get3A_728 = vector.shape_cast %get3A_727 : vector<1x16xf32> to vector<16xf32>
      %add3A_729 = arith.addf %add3A_723, %get3A_728 : vector<16xf32>
      %get3A_730 = arith.constant 23 : i32
      %get3A_731 = arith.index_cast %get3A_730 : i32 to index
      %get3A_732 = arith.constant 96 : index
      %get3A_733 = tpu.vector_load %arg10[%get3A_731, %get3A_732] {strides = array<i32>} : memref<32x128xf32, #tpu.memory_space<vmem>>, vector<1x16xf32>,
      %get3A_734 = vector.shape_cast %get3A_733 : vector<1x16xf32> to vector<16xf32>
      %add3A_735 = arith.addf %add3A_729, %get3A_734 : vector<16xf32>
      %get3A_736 = arith.constant 24 : i32
      %get3A_737 = arith.index_cast %get3A_736 : i32 to index
      %get3A_738 = arith.constant 96 : index
      %get3A_739 = tpu.vector_load %arg10[%get3A_737, %get3A_738] {strides = array<i32>} : memref<32x128xf32, #tpu.memory_space<vmem>>, vector<1x16xf32>,
      %get3A_740 = vector.shape_cast %get3A_739 : vector<1x16xf32> to vector<16xf32>
      %get3A_741 = arith.constant 25 : i32
      %get3A_742 = arith.index_cast %get3A_741 : i32 to index
      %get3A_743 = arith.constant 96 : index
      %get3A_744 = tpu.vector_load %arg10[%get3A_742, %get3A_743] {strides = array<i32>} : memref<32x128xf32, #tpu.memory_space<vmem>>, vector<1x16xf32>,
      %get3A_745 = vector.shape_cast %get3A_744 : vector<1x16xf32> to vector<16xf32>
      %add3A_746 = arith.addf %get3A_740, %get3A_745 : vector<16xf32>
      %get3A_747 = arith.constant 26 : i32
      %get3A_748 = arith.index_cast %get3A_747 : i32 to index
      %get3A_749 = arith.constant 96 : index
      %get3A_750 = tpu.vector_load %arg10[%get3A_748, %get3A_749] {strides = array<i32>} : memref<32x128xf32, #tpu.memory_space<vmem>>, vector<1x16xf32>,
      %get3A_751 = vector.shape_cast %get3A_750 : vector<1x16xf32> to vector<16xf32>
      %add3A_752 = arith.addf %add3A_746, %get3A_751 : vector<16xf32>
      %get3A_753 = arith.constant 27 : i32
      %get3A_754 = arith.index_cast %get3A_753 : i32 to index
      %get3A_755 = arith.constant 96 : index
      %get3A_756 = tpu.vector_load %arg10[%get3A_754, %get3A_755] {strides = array<i32>} : memref<32x128xf32, #tpu.memory_space<vmem>>, vector<1x16xf32>,
      %get3A_757 = vector.shape_cast %get3A_756 : vector<1x16xf32> to vector<16xf32>
      %add3A_758 = arith.addf %add3A_752, %get3A_757 : vector<16xf32>
      %get3A_759 = arith.constant 28 : i32
      %get3A_760 = arith.index_cast %get3A_759 : i32 to index
      %get3A_761 = arith.constant 96 : index
      %get3A_762 = tpu.vector_load %arg10[%get3A_760, %get3A_761] {strides = array<i32>} : memref<32x128xf32, #tpu.memory_space<vmem>>, vector<1x16xf32>,
      %get3A_763 = vector.shape_cast %get3A_762 : vector<1x16xf32> to vector<16xf32>
      %add3A_764 = arith.addf %add3A_758, %get3A_763 : vector<16xf32>
      %get3A_765 = arith.constant 29 : i32
      %get3A_766 = arith.index_cast %get3A_765 : i32 to index
      %get3A_767 = arith.constant 96 : index
      %get3A_768 = tpu.vector_load %arg10[%get3A_766, %get3A_767] {strides = array<i32>} : memref<32x128xf32, #tpu.memory_space<vmem>>, vector<1x16xf32>,
      %get3A_769 = vector.shape_cast %get3A_768 : vector<1x16xf32> to vector<16xf32>
      %add3A_770 = arith.addf %add3A_764, %get3A_769 : vector<16xf32>
      %get3A_771 = arith.constant 30 : i32
      %get3A_772 = arith.index_cast %get3A_771 : i32 to index
      %get3A_773 = arith.constant 96 : index
      %get3A_774 = tpu.vector_load %arg10[%get3A_772, %get3A_773] {strides = array<i32>} : memref<32x128xf32, #tpu.memory_space<vmem>>, vector<1x16xf32>,
      %get3A_775 = vector.shape_cast %get3A_774 : vector<1x16xf32> to vector<16xf32>
      %add3A_776 = arith.addf %add3A_770, %get3A_775 : vector<16xf32>
      %get3A_777 = arith.constant 31 : i32
      %get3A_778 = arith.index_cast %get3A_777 : i32 to index
      %get3A_779 = arith.constant 96 : index
      %get3A_780 = tpu.vector_load %arg10[%get3A_778, %get3A_779] {strides = array<i32>} : memref<32x128xf32, #tpu.memory_space<vmem>>, vector<1x16xf32>,
      %get3A_781 = vector.shape_cast %get3A_780 : vector<1x16xf32> to vector<16xf32>
      %add3A_782 = arith.addf %add3A_776, %get3A_781 : vector<16xf32>
      %mul3A_783 = arith.mulf %add3A_735, %broadcast_in_dim3A : vector<16xf32>
      %add3A_784 = arith.addf %mul3A_783, %add3A_782 : vector<16xf32>
      %swap3A_785 = arith.constant 0 : i32
      %swap3A_786 = arith.index_cast %swap3A_785 : i32 to index
      %swap3A_787 = arith.constant 96 : index
      %swap3A_788 = tpu.vector_load %arg11[%swap3A_786, %swap3A_787] {strides = array<i32>} : memref<1x128xf32, #tpu.memory_space<vmem>>, vector<1x16xf32>,
      %swap3A_789 = vector.shape_cast %swap3A_788 : vector<1x16xf32> to vector<16xf32>
      %swap3A_790 = vector.shape_cast %add3A_784 : vector<16xf32> to vector<1x16xf32>
      tpu.vector_store %arg11[%swap3A_786, %swap3A_787], %swap3A_790 {strides = array<i32>} : memref<1x128xf32, #tpu.memory_space<vmem>>, vector<1x16xf32>,
      %get3A_791 = arith.constant 16 : i32
      %get3A_792 = arith.index_cast %get3A_791 : i32 to index
      %get3A_793 = arith.constant 112 : index
      %get3A_794 = tpu.vector_load %arg10[%get3A_792, %get3A_793] {strides = array<i32>} : memref<32x128xf32, #tpu.memory_space<vmem>>, vector<1x16xf32>,
      %get3A_795 = vector.shape_cast %get3A_794 : vector<1x16xf32> to vector<16xf32>
      %get3A_796 = arith.constant 17 : i32
      %get3A_797 = arith.index_cast %get3A_796 : i32 to index
      %get3A_798 = arith.constant 112 : index
      %get3A_799 = tpu.vector_load %arg10[%get3A_797, %get3A_798] {strides = array<i32>} : memref<32x128xf32, #tpu.memory_space<vmem>>, vector<1x16xf32>,
      %get3A_800 = vector.shape_cast %get3A_799 : vector<1x16xf32> to vector<16xf32>
      %add3A_801 = arith.addf %get3A_795, %get3A_800 : vector<16xf32>
      %get3A_802 = arith.constant 18 : i32
      %get3A_803 = arith.index_cast %get3A_802 : i32 to index
      %get3A_804 = arith.constant 112 : index
      %get3A_805 = tpu.vector_load %arg10[%get3A_803, %get3A_804] {strides = array<i32>} : memref<32x128xf32, #tpu.memory_space<vmem>>, vector<1x16xf32>,
      %get3A_806 = vector.shape_cast %get3A_805 : vector<1x16xf32> to vector<16xf32>
      %add3A_807 = arith.addf %add3A_801, %get3A_806 : vector<16xf32>
      %get3A_808 = arith.constant 19 : i32
      %get3A_809 = arith.index_cast %get3A_808 : i32 to index
      %get3A_810 = arith.constant 112 : index
      %get3A_811 = tpu.vector_load %arg10[%get3A_809, %get3A_810] {strides = array<i32>} : memref<32x128xf32, #tpu.memory_space<vmem>>, vector<1x16xf32>,
      %get3A_812 = vector.shape_cast %get3A_811 : vector<1x16xf32> to vector<16xf32>
      %add3A_813 = arith.addf %add3A_807, %get3A_812 : vector<16xf32>
      %get3A_814 = arith.constant 20 : i32
      %get3A_815 = arith.index_cast %get3A_814 : i32 to index
      %get3A_816 = arith.constant 112 : index
      %get3A_817 = tpu.vector_load %arg10[%get3A_815, %get3A_816] {strides = array<i32>} : memref<32x128xf32, #tpu.memory_space<vmem>>, vector<1x16xf32>,
      %get3A_818 = vector.shape_cast %get3A_817 : vector<1x16xf32> to vector<16xf32>
      %add3A_819 = arith.addf %add3A_813, %get3A_818 : vector<16xf32>
      %get3A_820 = arith.constant 21 : i32
      %get3A_821 = arith.index_cast %get3A_820 : i32 to index
      %get3A_822 = arith.constant 112 : index
      %get3A_823 = tpu.vector_load %arg10[%get3A_821, %get3A_822] {strides = array<i32>} : memref<32x128xf32, #tpu.memory_space<vmem>>, vector<1x16xf32>,
      %get3A_824 = vector.shape_cast %get3A_823 : vector<1x16xf32> to vector<16xf32>
      %add3A_825 = arith.addf %add3A_819, %get3A_824 : vector<16xf32>
      %get3A_826 = arith.constant 22 : i32
      %get3A_827 = arith.index_cast %get3A_826 : i32 to index
      %get3A_828 = arith.constant 112 : index
      %get3A_829 = tpu.vector_load %arg10[%get3A_827, %get3A_828] {strides = array<i32>} : memref<32x128xf32, #tpu.memory_space<vmem>>, vector<1x16xf32>,
      %get3A_830 = vector.shape_cast %get3A_829 : vector<1x16xf32> to vector<16xf32>
      %add3A_831 = arith.addf %add3A_825, %get3A_830 : vector<16xf32>
      %get3A_832 = arith.constant 23 : i32
      %get3A_833 = arith.index_cast %get3A_832 : i32 to index
      %get3A_834 = arith.constant 112 : index
      %get3A_835 = tpu.vector_load %arg10[%get3A_833, %get3A_834] {strides = array<i32>} : memref<32x128xf32, #tpu.memory_space<vmem>>, vector<1x16xf32>,
      %get3A_836 = vector.shape_cast %get3A_835 : vector<1x16xf32> to vector<16xf32>
      %add3A_837 = arith.addf %add3A_831, %get3A_836 : vector<16xf32>
      %get3A_838 = arith.constant 24 : i32
      %get3A_839 = arith.index_cast %get3A_838 : i32 to index
      %get3A_840 = arith.constant 112 : index
      %get3A_841 = tpu.vector_load %arg10[%get3A_839, %get3A_840] {strides = array<i32>} : memref<32x128xf32, #tpu.memory_space<vmem>>, vector<1x16xf32>,
      %get3A_842 = vector.shape_cast %get3A_841 : vector<1x16xf32> to vector<16xf32>
      %get3A_843 = arith.constant 25 : i32
      %get3A_844 = arith.index_cast %get3A_843 : i32 to index
      %get3A_845 = arith.constant 112 : index
      %get3A_846 = tpu.vector_load %arg10[%get3A_844, %get3A_845] {strides = array<i32>} : memref<32x128xf32, #tpu.memory_space<vmem>>, vector<1x16xf32>,
      %get3A_847 = vector.shape_cast %get3A_846 : vector<1x16xf32> to vector<16xf32>
      %add3A_848 = arith.addf %get3A_842, %get3A_847 : vector<16xf32>
      %get3A_849 = arith.constant 26 : i32
      %get3A_850 = arith.index_cast %get3A_849 : i32 to index
      %get3A_851 = arith.constant 112 : index
      %get3A_852 = tpu.vector_load %arg10[%get3A_850, %get3A_851] {strides = array<i32>} : memref<32x128xf32, #tpu.memory_space<vmem>>, vector<1x16xf32>,
      %get3A_853 = vector.shape_cast %get3A_852 : vector<1x16xf32> to vector<16xf32>
      %add3A_854 = arith.addf %add3A_848, %get3A_853 : vector<16xf32>
      %get3A_855 = arith.constant 27 : i32
      %get3A_856 = arith.index_cast %get3A_855 : i32 to index
      %get3A_857 = arith.constant 112 : index
      %get3A_858 = tpu.vector_load %arg10[%get3A_856, %get3A_857] {strides = array<i32>} : memref<32x128xf32, #tpu.memory_space<vmem>>, vector<1x16xf32>,
      %get3A_859 = vector.shape_cast %get3A_858 : vector<1x16xf32> to vector<16xf32>
      %add3A_860 = arith.addf %add3A_854, %get3A_859 : vector<16xf32>
      %get3A_861 = arith.constant 28 : i32
      %get3A_862 = arith.index_cast %get3A_861 : i32 to index
      %get3A_863 = arith.constant 112 : index
      %get3A_864 = tpu.vector_load %arg10[%get3A_862, %get3A_863] {strides = array<i32>} : memref<32x128xf32, #tpu.memory_space<vmem>>, vector<1x16xf32>,
      %get3A_865 = vector.shape_cast %get3A_864 : vector<1x16xf32> to vector<16xf32>
      %add3A_866 = arith.addf %add3A_860, %get3A_865 : vector<16xf32>
      %get3A_867 = arith.constant 29 : i32
      %get3A_868 = arith.index_cast %get3A_867 : i32 to index
      %get3A_869 = arith.constant 112 : index
      %get3A_870 = tpu.vector_load %arg10[%get3A_868, %get3A_869] {strides = array<i32>} : memref<32x128xf32, #tpu.memory_space<vmem>>, vector<1x16xf32>,
      %get3A_871 = vector.shape_cast %get3A_870 : vector<1x16xf32> to vector<16xf32>
      %add3A_872 = arith.addf %add3A_866, %get3A_871 : vector<16xf32>
      %get3A_873 = arith.constant 30 : i32
      %get3A_874 = arith.index_cast %get3A_873 : i32 to index
      %get3A_875 = arith.constant 112 : index
      %get3A_876 = tpu.vector_load %arg10[%get3A_874, %get3A_875] {strides = array<i32>} : memref<32x128xf32, #tpu.memory_space<vmem>>, vector<1x16xf32>,
      %get3A_877 = vector.shape_cast %get3A_876 : vector<1x16xf32> to vector<16xf32>
      %add3A_878 = arith.addf %add3A_872, %get3A_877 : vector<16xf32>
      %get3A_879 = arith.constant 31 : i32
      %get3A_880 = arith.index_cast %get3A_879 : i32 to index
      %get3A_881 = arith.constant 112 : index
      %get3A_882 = tpu.vector_load %arg10[%get3A_880, %get3A_881] {strides = array<i32>} : memref<32x128xf32, #tpu.memory_space<vmem>>, vector<1x16xf32>,
      %get3A_883 = vector.shape_cast %get3A_882 : vector<1x16xf32> to vector<16xf32>
      %add3A_884 = arith.addf %add3A_878, %get3A_883 : vector<16xf32>
      %mul3A_885 = arith.mulf %add3A_837, %broadcast_in_dim3A : vector<16xf32>
      %add3A_886 = arith.addf %mul3A_885, %add3A_884 : vector<16xf32>
      %swap3A_887 = arith.constant 0 : i32
      %swap3A_888 = arith.index_cast %swap3A_887 : i32 to index
      %swap3A_889 = arith.constant 112 : index
      %swap3A_890 = tpu.vector_load %arg11[%swap3A_888, %swap3A_889] {strides = array<i32>} : memref<1x128xf32, #tpu.memory_space<vmem>>, vector<1x16xf32>,
      %swap3A_891 = vector.shape_cast %swap3A_890 : vector<1x16xf32> to vector<16xf32>
      %swap3A_892 = vector.shape_cast %add3A_886 : vector<16xf32> to vector<1x16xf32>
      tpu.vector_store %arg11[%swap3A_888, %swap3A_889], %swap3A_892 {strides = array<i32>} : memref<1x128xf32, #tpu.memory_space<vmem>>, vector<1x16xf32>,
      %add3A_893 = arith.constant 201 : i32
      %add3A_894 = arith.addi %add3A_893, %arg1 : i32
      %dma_start3A_895 = arith.constant 0 : i32
      %dma_start3A_896 = tpu.memref_slice %arg8[%add3A_894, %dma_start3A_895] : memref<216x128xf32, #tpu.memory_space<hbm>> -> memref<1x128xf32, #tpu.memory_space<hbm>>
      %dma_start3A_897 = arith.constant 0 : i32
      %dma_start3A_898 = tpu.memref_slice %arg8[%add3A_894, %dma_start3A_897] : memref<216x128xf32, #tpu.memory_space<hbm>> -> memref<1x128xf32, #tpu.memory_space<hbm>>
      tpu.enqueue_dma source(%arg11 : memref<1x128xf32, #tpu.memory_space<vmem>>) target(%dma_start3A_898 : memref<1x128xf32, #tpu.memory_space<hbm>>) target_semaphore(%arg13 : memref<!tpu.dma_semaphore, #tpu.memory_space<semaphore_mem>>)
      %dma_wait3A_899 = arith.constant 0 : i32
      %dma_wait3A_900 = arith.constant 0 : i32
      %dma_wait3A_901 = tpu.memref_slice %arg10[%dma_wait3A_899, %dma_wait3A_900] : memref<32x128xf32, #tpu.memory_space<vmem>> -> memref<16x128xf32, #tpu.memory_space<vmem>>
      %dma_wait3A_902 = arith.constant 0 : i32
      %dma_wait3A_903 = tpu.memref_slice %arg8[%min3A_12, %dma_wait3A_902] : memref<216x128xf32, #tpu.memory_space<hbm>> -> memref<16x128xf32, #tpu.memory_space<hbm>>
      %dma_wait3A_904 = arith.constant 0 : i32
      %dma_wait3A_905 = tpu.memref_slice %arg8[%min3A_12, %dma_wait3A_904] : memref<216x128xf32, #tpu.memory_space<hbm>> -> memref<16x128xf32, #tpu.memory_space<hbm>>
      %dma_wait3A_906 = arith.constant 0 : i32
      %dma_wait3A_907 = arith.constant 0 : i32
      %dma_wait3A_908 = tpu.memref_slice %arg10[%dma_wait3A_906, %dma_wait3A_907] : memref<32x128xf32, #tpu.memory_space<vmem>> -> memref<16x128xf32, #tpu.memory_space<vmem>>
      tpu.wait_dma2 semaphore(%arg12 : memref<!tpu.dma_semaphore, #tpu.memory_space<semaphore_mem>>) src(%dma_wait3A_908 : memref<16x128xf32, #tpu.memory_space<vmem>>) dst(%dma_wait3A_905 : memref<16x128xf32, #tpu.memory_space<hbm>>)
      %dma_wait3A_909 = arith.constant 0 : i32
      %dma_wait3A_910 = tpu.memref_slice %arg8[%add3A_894, %dma_wait3A_909] : memref<216x128xf32, #tpu.memory_space<hbm>> -> memref<1x128xf32, #tpu.memory_space<hbm>>
      %dma_wait3A_911 = arith.constant 0 : i32
      %dma_wait3A_912 = tpu.memref_slice %arg8[%add3A_894, %dma_wait3A_911] : memref<216x128xf32, #tpu.memory_space<hbm>> -> memref<1x128xf32, #tpu.memory_space<hbm>>
      tpu.wait_dma2 semaphore(%arg13 : memref<!tpu.dma_semaphore, #tpu.memory_space<semaphore_mem>>) src(%arg11 : memref<1x128xf32, #tpu.memory_space<vmem>>) dst(%dma_wait3A_912 : memref<1x128xf32, #tpu.memory_space<hbm>>)
    } else {
    }
    %eq3A = arith.constant 13 : i32
    %eq3A_2 = arith.cmpi eq, %arg1, %eq3A : i32
    %convert_element_type3A_3 = arith.extui %eq3A_2 : i1 to i32
    %cond3A_4 = arith.constant 0 : i32
    %cond3A_5 = arith.cmpi ne, %convert_element_type3A_3, %cond3A_4 : i32
    scf.if %cond3A_5 {
      "tpu.region"() ({
        %run_scoped3A = tpu.sem_alloc : memref<!tpu.dma_semaphore, #tpu.memory_space<semaphore_mem>>
        %dma_start3A = arith.constant 0 : i32
        %dma_start3A_13 = tpu.memref_slice %arg9[%dma_start3A] : memref<32xi32, #tpu.memory_space<vmem>> -> memref<1xi32, #tpu.memory_space<vmem>>
        %dma_start3A_14 = arith.constant 0 : i32
        %dma_start3A_15 = tpu.memref_slice %arg9[%dma_start3A_14] : memref<32xi32, #tpu.memory_space<vmem>> -> memref<1xi32, #tpu.memory_space<vmem>>
        tpu.enqueue_dma source(%arg3 : memref<1xi32, #tpu.memory_space<hbm>>) target(%dma_start3A_15 : memref<1xi32, #tpu.memory_space<vmem>>) target_semaphore(%run_scoped3A : memref<!tpu.dma_semaphore, #tpu.memory_space<semaphore_mem>>)
        %dma_wait3A = arith.constant 0 : i32
        %dma_wait3A_16 = tpu.memref_slice %arg9[%dma_wait3A] : memref<32xi32, #tpu.memory_space<vmem>> -> memref<1xi32, #tpu.memory_space<vmem>>
        %dma_wait3A_17 = arith.constant 0 : i32
        %dma_wait3A_18 = tpu.memref_slice %arg9[%dma_wait3A_17] : memref<32xi32, #tpu.memory_space<vmem>> -> memref<1xi32, #tpu.memory_space<vmem>>
        tpu.wait_dma2 semaphore(%run_scoped3A : memref<!tpu.dma_semaphore, #tpu.memory_space<semaphore_mem>>) src(%arg3 : memref<1xi32, #tpu.memory_space<hbm>>) dst(%dma_wait3A_18 : memref<1xi32, #tpu.memory_space<vmem>>)
        tpu.yield
      }) : () -> ()
      %get3A = arith.constant 0 : index
      %get3A_11 = tpu.vector_load %arg9[%get3A] {strides = array<i32>} : memref<32xi32, #tpu.memory_space<vmem>>, vector<32xi32>,
      %get3A_12 = vector.shape_cast %get3A_11 : vector<32xi32> to vector<32xi32>
      %slice3A = vector.extract_strided_slice %get3A_12 {offsets = [0], sizes = [1], strides = [1]} : vector<32xi32> to vector<1xi32>
      %squeeze3A = vector.extract %slice3A[0] : i32 from vector<1xi32>
      "tpu.region"() ({
        %run_scoped3A = tpu.sem_alloc : memref<!tpu.dma_semaphore, #tpu.memory_space<semaphore_mem>>
        %dma_start3A = arith.constant 200 : i32
        %dma_start3A_13 = arith.constant 0 : i32
        %dma_start3A_14 = tpu.memref_slice %arg8[%dma_start3A, %dma_start3A_13] : memref<216x128xf32, #tpu.memory_space<hbm>> -> memref<1x128xf32, #tpu.memory_space<hbm>>
        %dma_start3A_15 = arith.constant 0 : i32
        %dma_start3A_16 = tpu.memref_slice %arg7[%squeeze3A, %dma_start3A_15] : memref<100000x128xf32, #tpu.memory_space<hbm>> -> memref<1x128xf32, #tpu.memory_space<hbm>>
        tpu.enqueue_dma source(%dma_start3A_16 : memref<1x128xf32, #tpu.memory_space<hbm>>) target(%dma_start3A_14 : memref<1x128xf32, #tpu.memory_space<hbm>>) target_semaphore(%run_scoped3A : memref<!tpu.dma_semaphore, #tpu.memory_space<semaphore_mem>>)
        %dma_wait3A = arith.constant 200 : i32
        %dma_wait3A_17 = arith.constant 0 : i32
        %dma_wait3A_18 = tpu.memref_slice %arg8[%dma_wait3A, %dma_wait3A_17] : memref<216x128xf32, #tpu.memory_space<hbm>> -> memref<1x128xf32, #tpu.memory_space<hbm>>
        %dma_wait3A_19 = arith.constant 0 : i32
        %dma_wait3A_20 = tpu.memref_slice %arg7[%squeeze3A, %dma_wait3A_19] : memref<100000x128xf32, #tpu.memory_space<hbm>> -> memref<1x128xf32, #tpu.memory_space<hbm>>
        tpu.wait_dma2 semaphore(%run_scoped3A : memref<!tpu.dma_semaphore, #tpu.memory_space<semaphore_mem>>) src(%dma_wait3A_20 : memref<1x128xf32, #tpu.memory_space<hbm>>) dst(%dma_wait3A_18 : memref<1x128xf32, #tpu.memory_space<hbm>>)
        tpu.yield
      }) : () -> ()
    } else {
    }
    %eq3A_6 = arith.constant 14 : i32
    %eq3A_7 = arith.cmpi eq, %arg1, %eq3A_6 : i32
    %convert_element_type3A_8 = arith.extui %eq3A_7 : i1 to i32
    %cond3A_9 = arith.constant 0 : i32
    %cond3A_10 = arith.cmpi ne, %convert_element_type3A_8, %cond3A_9 : i32
    scf.if %cond3A_10 {
      "tpu.region"() ({
        %run_scoped3A = tpu.sem_alloc : memref<!tpu.dma_semaphore, #tpu.memory_space<semaphore_mem>>
        %dma_start3A = arith.constant 0 : i32
        %dma_start3A_13 = tpu.memref_slice %arg9[%dma_start3A] : memref<32xi32, #tpu.memory_space<vmem>> -> memref<1xi32, #tpu.memory_space<vmem>>
        %dma_start3A_14 = arith.constant 0 : i32
        %dma_start3A_15 = tpu.memref_slice %arg9[%dma_start3A_14] : memref<32xi32, #tpu.memory_space<vmem>> -> memref<1xi32, #tpu.memory_space<vmem>>
        tpu.enqueue_dma source(%arg2 : memref<1xi32, #tpu.memory_space<hbm>>) target(%dma_start3A_15 : memref<1xi32, #tpu.memory_space<vmem>>) target_semaphore(%run_scoped3A : memref<!tpu.dma_semaphore, #tpu.memory_space<semaphore_mem>>)
        %dma_wait3A = arith.constant 0 : i32
        %dma_wait3A_16 = tpu.memref_slice %arg9[%dma_wait3A] : memref<32xi32, #tpu.memory_space<vmem>> -> memref<1xi32, #tpu.memory_space<vmem>>
        %dma_wait3A_17 = arith.constant 0 : i32
        %dma_wait3A_18 = tpu.memref_slice %arg9[%dma_wait3A_17] : memref<32xi32, #tpu.memory_space<vmem>> -> memref<1xi32, #tpu.memory_space<vmem>>
        tpu.wait_dma2 semaphore(%run_scoped3A : memref<!tpu.dma_semaphore, #tpu.memory_space<semaphore_mem>>) src(%arg2 : memref<1xi32, #tpu.memory_space<hbm>>) dst(%dma_wait3A_18 : memref<1xi32, #tpu.memory_space<vmem>>)
        tpu.yield
      }) : () -> ()
      %get3A = arith.constant 0 : index
      %get3A_11 = tpu.vector_load %arg9[%get3A] {strides = array<i32>} : memref<32xi32, #tpu.memory_space<vmem>>, vector<32xi32>,
      %get3A_12 = vector.shape_cast %get3A_11 : vector<32xi32> to vector<32xi32>
      %slice3A = vector.extract_strided_slice %get3A_12 {offsets = [0], sizes = [1], strides = [1]} : vector<32xi32> to vector<1xi32>
      %squeeze3A = vector.extract %slice3A[0] : i32 from vector<1xi32>
      "tpu.region"() ({
        %run_scoped3A = tpu.sem_alloc : memref<!tpu.dma_semaphore, #tpu.memory_space<semaphore_mem>>
        %dma_start3A = arith.constant 214 : i32
        %dma_start3A_13 = arith.constant 0 : i32
        %dma_start3A_14 = tpu.memref_slice %arg8[%dma_start3A, %dma_start3A_13] : memref<216x128xf32, #tpu.memory_space<hbm>> -> memref<1x128xf32, #tpu.memory_space<hbm>>
        %dma_start3A_15 = arith.constant 0 : i32
        %dma_start3A_16 = tpu.memref_slice %arg6[%squeeze3A, %dma_start3A_15] : memref<100000x128xf32, #tpu.memory_space<hbm>> -> memref<1x128xf32, #tpu.memory_space<hbm>>
        tpu.enqueue_dma source(%dma_start3A_16 : memref<1x128xf32, #tpu.memory_space<hbm>>) target(%dma_start3A_14 : memref<1x128xf32, #tpu.memory_space<hbm>>) target_semaphore(%run_scoped3A : memref<!tpu.dma_semaphore, #tpu.memory_space<semaphore_mem>>)
        %dma_wait3A = arith.constant 214 : i32
        %dma_wait3A_17 = arith.constant 0 : i32
        %dma_wait3A_18 = tpu.memref_slice %arg8[%dma_wait3A, %dma_wait3A_17] : memref<216x128xf32, #tpu.memory_space<hbm>> -> memref<1x128xf32, #tpu.memory_space<hbm>>
        %dma_wait3A_19 = arith.constant 0 : i32
        %dma_wait3A_20 = tpu.memref_slice %arg6[%squeeze3A, %dma_wait3A_19] : memref<100000x128xf32, #tpu.memory_space<hbm>> -> memref<1x128xf32, #tpu.memory_space<hbm>>
        tpu.wait_dma2 semaphore(%run_scoped3A : memref<!tpu.dma_semaphore, #tpu.memory_space<semaphore_mem>>) src(%dma_wait3A_20 : memref<1x128xf32, #tpu.memory_space<hbm>>) dst(%dma_wait3A_18 : memref<1x128xf32, #tpu.memory_space<hbm>>)
        tpu.yield
      }) : () -> ()
    } else {
    }
    return
  }
}

module attributes {stable_mosaic.version = 14 : i64} {
  func.func @_finish_body(%arg0: memref<216x128xf32, #tpu.memory_space<vmem>>, %arg1: memref<1x1xf32, #tpu.memory_space<smem>>) attributes {dimension_semantics = [], scalar_prefetch = 0 : i64, scratch_operands = 0 : i64, tpu.core_type = #tpu.core_type<tc>} {
    %get3A = arith.constant 0 : index
    %get3A_0 = arith.constant 0 : index
    %get3A_1 = vector.load %arg0[%get3A, %get3A_0] : memref<216x128xf32, #tpu.memory_space<vmem>>, vector<200x128xf32>
    %get3A_2 = arith.constant 200 : index
    %get3A_3 = arith.constant 0 : index
    %get3A_4 = vector.load %arg0[%get3A_2, %get3A_3] : memref<216x128xf32, #tpu.memory_space<vmem>>, vector<1x128xf32>
    %get3A_5 = arith.constant 214 : index
    %get3A_6 = arith.constant 0 : index
    %get3A_7 = vector.load %arg0[%get3A_5, %get3A_6] : memref<216x128xf32, #tpu.memory_space<vmem>>, vector<1x128xf32>
    %get3A_8 = arith.constant 201 : index
    %get3A_9 = arith.constant 0 : index
    %get3A_10 = vector.load %arg0[%get3A_8, %get3A_9] : memref<216x128xf32, #tpu.memory_space<vmem>>, vector<13x128xf32>
    %reduce_sum3A = arith.constant dense<0.000000e+00> : vector<128xf32>
    %reduce_sum3A_11 = vector.multi_reduction <add>, %get3A_10, %reduce_sum3A [0] : vector<13x128xf32> to vector<128xf32>
    %broadcast_in_dim3A = vector.shape_cast %reduce_sum3A_11 : vector<128xf32> to vector<1x128xf32>
    %mul3A = arith.mulf %get3A_7, %get3A_4 : vector<1x128xf32>
    %reduce_sum3A_12 = vector.shape_cast %mul3A : vector<1x128xf32> to vector<1x1x128xf32>
    %reduce_sum3A_13 = arith.constant dense<0.000000e+00> : vector<1xf32>
    %reduce_sum3A_14 = vector.multi_reduction <add>, %reduce_sum3A_12, %reduce_sum3A_13 [1, 2] : vector<1x1x128xf32> to vector<1xf32>
    %reduce_sum3A_15 = vector.shape_cast %reduce_sum3A_14 : vector<1xf32> to vector<1x1x1xf32>
    %reduce_sum3A_16 = vector.extract %reduce_sum3A_15[0, 0, 0] : f32 from vector<1x1x1xf32>
    %mul3A_17 = arith.mulf %broadcast_in_dim3A, %get3A_4 : vector<1x128xf32>
    %reduce_sum3A_18 = vector.shape_cast %mul3A_17 : vector<1x128xf32> to vector<1x1x128xf32>
    %reduce_sum3A_19 = arith.constant dense<0.000000e+00> : vector<1xf32>
    %reduce_sum3A_20 = vector.multi_reduction <add>, %reduce_sum3A_18, %reduce_sum3A_19 [1, 2] : vector<1x1x128xf32> to vector<1xf32>
    %reduce_sum3A_21 = vector.shape_cast %reduce_sum3A_20 : vector<1xf32> to vector<1x1x1xf32>
    %reduce_sum3A_22 = vector.extract %reduce_sum3A_21[0, 0, 0] : f32 from vector<1x1x1xf32>
    %div3A = arith.constant 2.000000e+02 : f32
    %div3A_23 = arith.divf %reduce_sum3A_22, %div3A : f32
    %dot_general3A = arith.constant dense<0.000000e+00> : vector<1x200xf32>
    %dot_general3A_24 = tpu.matmul %get3A_7, %get3A_1, %dot_general3A {dimension_numbers = #tpu.dot_dimension_numbers<[1], [1], [0], [0], [0, 0, 1, 0], [], []>, transpose_lhs_hint = false} : vector<1x128xf32>, vector<200x128xf32>, vector<1x200xf32> -> vector<1x200xf32>
    %dot_general3A_25 = arith.constant dense<0.000000e+00> : vector<1x200xf32>
    %dot_general3A_26 = tpu.matmul %broadcast_in_dim3A, %get3A_1, %dot_general3A_25 {dimension_numbers = #tpu.dot_dimension_numbers<[1], [1], [0], [0], [0, 0, 1, 0], [], []>, transpose_lhs_hint = false} : vector<1x128xf32>, vector<200x128xf32>, vector<1x200xf32> -> vector<1x200xf32>
    %div3A_27 = arith.constant 2.000000e+02 : f32
    %div3A_28 = vector.broadcast %div3A_27 : f32 to vector<1x200xf32>
    %div3A_29 = arith.divf %dot_general3A_26, %div3A_28 : vector<1x200xf32>
    %logistic3A = arith.negf %reduce_sum3A_16 : f32
    %logistic3A_30 = math.exp %logistic3A : f32
    %logistic3A_31 = arith.constant 1.000000e+00 : f32
    %logistic3A_32 = arith.addf %logistic3A_31, %logistic3A_30 : f32
    %logistic3A_33 = arith.divf %logistic3A_31, %logistic3A_32 : f32
    %logistic3A_34 = arith.negf %div3A_23 : f32
    %logistic3A_35 = math.exp %logistic3A_34 : f32
    %logistic3A_36 = arith.constant 1.000000e+00 : f32
    %logistic3A_37 = arith.addf %logistic3A_36, %logistic3A_35 : f32
    %logistic3A_38 = arith.divf %logistic3A_36, %logistic3A_37 : f32
    %mul3A_39 = arith.mulf %logistic3A_33, %logistic3A_38 : f32
    %logistic3A_40 = arith.negf %dot_general3A_24 : vector<1x200xf32>
    %logistic3A_41 = math.exp %logistic3A_40 : vector<1x200xf32>
    %logistic3A_42 = arith.constant 1.000000e+00 : f32
    %logistic3A_43 = vector.broadcast %logistic3A_42 : f32 to vector<1x200xf32>
    %logistic3A_44 = arith.addf %logistic3A_43, %logistic3A_41 : vector<1x200xf32>
    %logistic3A_45 = arith.divf %logistic3A_43, %logistic3A_44 : vector<1x200xf32>
    %logistic3A_46 = arith.negf %div3A_29 : vector<1x200xf32>
    %logistic3A_47 = math.exp %logistic3A_46 : vector<1x200xf32>
    %logistic3A_48 = arith.constant 1.000000e+00 : f32
    %logistic3A_49 = vector.broadcast %logistic3A_48 : f32 to vector<1x200xf32>
    %logistic3A_50 = arith.addf %logistic3A_49, %logistic3A_47 : vector<1x200xf32>
    %logistic3A_51 = arith.divf %logistic3A_49, %logistic3A_50 : vector<1x200xf32>
    %mul3A_52 = arith.mulf %logistic3A_45, %logistic3A_51 : vector<1x200xf32>
    %log3A = math.log %mul3A_39 : f32
    %sub3A = arith.constant 1.000000e+00 : f32
    %sub3A_53 = vector.broadcast %sub3A : f32 to vector<1x200xf32>
    %sub3A_54 = arith.subf %sub3A_53, %mul3A_52 : vector<1x200xf32>
    %log3A_55 = math.log %sub3A_54 : vector<1x200xf32>
    %reduce_sum3A_56 = vector.shape_cast %log3A_55 : vector<1x200xf32> to vector<1x1x200xf32>
    %reduce_sum3A_57 = arith.constant dense<0.000000e+00> : vector<1xf32>
    %reduce_sum3A_58 = vector.multi_reduction <add>, %reduce_sum3A_56, %reduce_sum3A_57 [1, 2] : vector<1x1x200xf32> to vector<1xf32>
    %reduce_sum3A_59 = vector.shape_cast %reduce_sum3A_58 : vector<1xf32> to vector<1x1x1xf32>
    %reduce_sum3A_60 = vector.extract %reduce_sum3A_59[0, 0, 0] : f32 from vector<1x1x1xf32>
    %add3A = arith.addf %log3A, %reduce_sum3A_60 : f32
    %neg3A = arith.constant 0.000000e+00 : f32
    %neg3A_61 = arith.subf %neg3A, %add3A : f32
    %swap3A = arith.constant 0 : index
    %swap3A_62 = arith.constant 0 : index
    %swap3A_63 = memref.load %arg1[%swap3A, %swap3A_62] : memref<1x1xf32, #tpu.memory_space<smem>>
    memref.store %neg3A_61, %arg1[%swap3A, %swap3A_62] : memref<1x1xf32, #tpu.memory_space<smem>>
    return
  }
}

</mosaic_0001>

<sc_bundles>
// kernel: kernel.4.cloned.1.call-start
scs
__scs_entry_jumppad:
0x0: {  	(pc) =	sbr.rel $0x88, $3  }
0x1: {  	(tag) =	ssettag $0x0;
	lr =	simm.s32 $0x1  }
0x2: {  	[smem:$0x3F9B] =	sst lr;
	_ =	strace $0xD0000000  }
0x3: {  	_ = 	snop  }
0x4: {  	_ = 	snop  }
0x5: {  	_ = 	snop  }
0x6: {  	_ = 	snop  }
0x7: {  	_ = 	snop  }
__scs_overlays_trampoline_lowered:
0x8: {  	[smem:$0x3FAA] =	sst s0  }
0x9: {  	[smem:$0x3FAB] =	sst s1  }
0xa: {  	[smem:$0x3FAC] =	sst s2  }
0xb: {  	[smem:$0x3FAD] =	sst s3  }
0xc: {  	[smem:$0x3FAE] =	sst s4  }
0xd: {  	[smem:$0x3FAF] =	sst s5  }
0xe: {  	[smem:$0x3FB0] =	sst s6  }
0xf: {  	[smem:$0x3FB1] =	sst s7  }
0x10: {  	[smem:$0x3FB2] =	sst s8  }
0x11: {  	[smem:$0x3FB3] =	sst s9;
	s0 =	simm.s32 @!p0 $0x0  }
0x12: {  	s1 =	sld [smem:$0x3F99];
	s0 =	simm.s32 @p0 $0x1  }
0x13: {  	[smem:$0x3FB4] =	sst s0;
	s0 =	simm.s32 @!p1 $0x0  }
0x14: {  	s2 =	sld [smem:$0x3F98];
	s0 =	simm.s32 @p1 $0x1  }
0x15: {  	[smem:$0x3FB5] =	sst s0;
	s0 =	simm.s32 @!p2 $0x0  }
0x16: {  	s3 =	sld [smem:$0x3FDB];
	s0 =	simm.s32 @p2 $0x1  }
0x17: {  	s4 =	simm.s32 $0x1BF5;
	[smem:$0x3FB7] =	sst s0  }
0x18: {  	s0 =	sld [smem:$0x3F9A];
	_ =	swait.ge [sflag:s4], $0x0  }
0x19: {  	s7 =	sld [smem:$0x3F9B]  }
0x1a: {  	s8 =	sadd.s32 $0xFFFFE003, lr  }
0x1b: {  	s9 =	sadd.s32 $0xFFFFFEF7, lr;
	s5 =	simm.s32 $0xFFFFFFFF;
	p2 =	slt.u32 s8, $0xFFFFF086  }
0x1c: {  	p1 =	slt.u32 s9, $0xF7A;
	s5 =	simm.s32 @!p2 $0x0  }
0x1d: {  	s5 =	simm.s32 @p1 $0x1;
	p0 =	seq.s32 s7, s2  }
0x1e: {  	s7 =	smul.u32 @!p0 $0xF7A, s2;
	p2 =	seq.s32 @!p0 s5, $0x0  }
0x1f: {  	s9 =	smul.u32 $0xF7A, s1;
	s8 =	simm.s32 @!p0 $0x1BF5;
	p2 =	por !p2, p0  }
0x20: {  	[sflag:s8] =	ssyncset.s32 @!p0 $0xFFFFF086;
	s6 =	sadd.s32 @!p0 s3, s7;
	s7 =	simm.s32 @!p0 $0x108  }
0x21: {  	s3 =	sadd.s32 s3, s9;
	s6 =	sadd.s32 @!p0 $0x88, s6;
	s7 =	simm.s32 @p2 $0x1082  }
0x22: {  	[simem:s7], [sflag:s8] =	dma.local @!p0 [hbm:s6], $0xF7A  }
0x23: {  	s9 =	sor.u32 $0xD0000000, s2;
	s6 =	simm.s32 $0x108;
	_ =	swait.ge @!p0 [sflag:s8], $0x0  }
0x24: {  	s3 =	sadd.s32 $0x88, s3;
	s6 =	simm.s32 @!p1 $0x1082;
	[sflag:s4] =	ssyncset.s32 $0xFFFFF086  }
0x25: {  	[simem:s6], [sflag:s4] =	dma.local [hbm:s3], $0xF7A  }
0x26: {  	[smem:$0x3F9B] =	sst s1;
	(tag) =	ssettag s2;
	_ =	strace s9  }
0x27: {  	s1 =	sld [smem:$0x3FAB]  }
0x28: {  	s2 =	sld [smem:$0x3FAC]  }
0x29: {  	s4 =	sld [smem:$0x3FAE]  }
0x2a: {  	p0 =	seq.s32 s5, $0x0;
	s5 =	sld [smem:$0x3FAF]  }
0x2b: {  	s6 =	sld [smem:$0x3FB0]  }
0x2c: {  	s7 =	sld [smem:$0x3FB1]  }
0x2d: {  	s3 =	simm.s32 $0x108;
	s8 =	sld [smem:$0x3FB2]  }
0x2e: {  	s3 =	simm.s32 @!p0 $0x1082;
	s9 =	sld [smem:$0x3FB3]  }
0x2f: {  	lr =	sadd.s32 s0, s3;
	s0 =	sld [smem:$0x3FAA]  }
0x30: {  	s3 =	sld [smem:$0x3FAD]  }
0x31: {  	[smem:$0x3FB6] =	sst s10  }
0x32: {  	s10 =	sld [smem:$0x3FB4];
	_ =	sdelay $0x3  }
0x33: {  	p0 =	seq.s32 s10, $0x1;
	s10 =	sld [smem:$0x3FB6];
	_ =	sdelay $0x3  }
0x34: {  	[smem:$0x3FB6] =	sst s10  }
0x35: {  	s10 =	sld [smem:$0x3FB5];
	_ =	sdelay $0x3  }
0x36: {  	p1 =	seq.s32 s10, $0x1;
	s10 =	sld [smem:$0x3FB6];
	_ =	sdelay $0x3  }
0x37: {  	[smem:$0x3FB6] =	sst s10  }
0x38: {  	s10 =	sld [smem:$0x3FB7]  }
0x39: {  	_ = 	snop;
	(pc) =	sbr.ind lr, $3  }
0x3a: {  	_ = 	snop  }
0x3b: {  	_ = 	snop  }
0x3c: {  	p2 =	seq.s32 s10, $0x1;
	s10 =	sld [smem:$0x3FB6]  }
0x3d: {  	_ =	shalt  }
0x3e: {  	_ =	shalt  }
0x3f: {  	_ =	shalt  }
0x40: {  	_ =	shalt  }
0x41: {  	_ =	shalt  }
0x42: {  	_ =	shalt  }
0x43: {  	_ =	shalt  }
0x44: {  	_ =	shalt  }
0x45: {  	_ =	shalt  }
0x46: {  	_ =	shalt  }
0x47: {  	_ =	shalt  }
0x48: {  	_ =	shalt  }
0x49: {  	_ =	shalt  }
0x4a: {  	_ =	shalt  }
0x4b: {  	_ =	shalt  }
0x4c: {  	_ =	shalt  }
0x4d: {  	_ =	shalt  }
0x4e: {  	_ =	shalt  }
0x4f: {  	_ =	shalt  }
0x50: {  	_ =	shalt  }
0x51: {  	_ =	shalt  }
0x52: {  	_ =	shalt  }
0x53: {  	_ =	shalt  }
0x54: {  	_ =	shalt  }
0x55: {  	_ =	shalt  }
0x56: {  	_ =	shalt  }
0x57: {  	_ =	shalt  }
0x58: {  	_ =	shalt  }
0x59: {  	_ =	shalt  }
0x5a: {  	_ =	shalt  }
0x5b: {  	_ =	shalt  }
0x5c: {  	_ =	shalt  }
0x5d: {  	_ =	shalt  }
0x5e: {  	_ =	shalt  }
0x5f: {  	_ =	shalt  }
0x60: {  	_ =	shalt  }
0x61: {  	_ =	shalt  }
0x62: {  	_ =	shalt  }
0x63: {  	_ =	shalt  }
0x64: {  	_ =	shalt  }
0x65: {  	_ =	shalt  }
0x66: {  	_ =	shalt  }
0x67: {  	_ =	shalt  }
0x68: {  	_ =	shalt  }
0x69: {  	_ =	shalt  }
0x6a: {  	_ =	shalt  }
0x6b: {  	_ =	shalt  }
0x6c: {  	_ =	shalt  }
0x6d: {  	_ =	shalt  }
0x6e: {  	_ =	shalt  }
0x6f: {  	_ =	shalt  }
0x70: {  	_ =	shalt  }
0x71: {  	_ =	shalt  }
0x72: {  	_ =	shalt  }
0x73: {  	_ =	shalt  }
0x74: {  	_ =	shalt  }
0x75: {  	_ =	shalt  }
0x76: {  	_ =	shalt  }
0x77: {  	_ =	shalt  }
0x78: {  	_ =	shalt  }
0x79: {  	_ =	shalt  }
0x7a: {  	_ =	shalt  }
0x7b: {  	_ =	shalt  }
0x7c: {  	_ =	shalt  }
0x7d: {  	_ =	shalt  }
0x7e: {  	_ =	shalt  }
0x7f: {  	_ =	shalt  }
0x80: {  	_ =	shalt  }
0x81: {  	_ =	shalt  }
0x82: {  	_ =	shalt  }
0x83: {  	_ =	shalt  }
0x84: {  	_ =	shalt  }
0x85: {  	_ =	shalt  }
0x86: {  	_ =	shalt  }
0x87: {  	_ =	shalt  }
.Lfunc_end0:
.L_simem_size_0:
called_computation_lowered:
.L_overlay_start_0:
0x88: {  	s0 =	sld [smem:$0x3FD9]  }
0x89: {  	s1 =	sld [smem:$0x3FFE];
	_ =	sdelay $0x3  }
0x8a: {  	s0 =	sadd.s32 s1, s0  }
0x8b: {  	[smem:$0x3FC2] =	sst s0  }
0x8c: {  	_ = 	snop  }
0x8d: {  	s0 =	sld [smem:$0x3FC9]  }
0x8e: {  	s16 =	sld [smem:$0x3FC8]  }
0x8f: {  	s2 =	sld [smem:$0x3FC7]  }
0x90: {  	s3 =	sld [smem:$0x3FC6]  }
0x91: {  	s4 =	sld [smem:$0x3FC5]  }
0x92: {  	s5 =	sld [smem:$0x3FC4];
	(tm) =	ssettm $0x1  }
0x93: {  	s6 =	sld [smem:$0x3FFB];
	_ =	sdelay $0x3  }
0x94: {  	_ =	strace s6  }
0x95: {  	s6 =	sld [smem:$0x3FFC];
	_ =	sdelay $0x3  }
0x96: {  	_ =	strace s6  }
0x97: {  	s6 =	sld [smem:$0x3FFD];
	_ =	sdelay $0x3  }
0x98: {  	_ =	strace s6  }
0x99: {  	_ =	strace $0x8FFFFFFF  }
0x9a: {  	s17 =	sld [smem:$0x3FDB];
	_ =	sdelay $0x1  }
0x9b: {  	s7 =	simm.s32 $_scs_section_size  }
0x9c: {  	s8 =	simm.s32 $_size__tile_overlayer_lowered;
	s9 =	simm.s32 $_tile_overlayer_lowered  }
0x9d: {  	s20 =	simm.s32 $0x1BFF;
	s19 =	sshll.u32 s9, $0x1;
	s6 =	sadd.s32 s7, s17  }
0x9e: {  	s10 =	simm.s32 $0x0;
	s18 =	sshll.u32 s8, $0x1;
	s8 =	sadd.s32 s19, s6  }
0x9f: {  	[timem:s10], [sflag:s20] =	dma.local [hbm:s8], s18  }
0xa0: {  	_ =	swait.ge [sflag:s20], s18  }
0xa1: {  	s7 =	ssub.s32 $0x0, s18;
	[sflag:s20] =	ssyncset.done $0x0  }
0xa2: {  	[sflag:s20] =	ssyncadd.s32 s7;
	_ =	sdelay $0x1  }
0xa3: {  	s21 =	simm.s32 $0x1B8B  }
0xa4: {  	_ =	swait.ge [sflag:s21], $0x1  }
0xa5: {  	[sflag:s21] =	ssyncset.done $0x0  }
0xa6: {  	s23 =	simm.s32 $0x1B8E;
	s22 =	sld [smem:$0x3FFE];
	[sflag:s21] =	ssyncadd.s32 $0xFFFFFFFF  }
0xa7: {  	s24 =	simm.s32 $execute0_lowered;
	[smem:$0x3FD2] =	sst s23  }
0xa8: {  	s8 =	sshll.u32 s24, $0x1;
	_ =	strace $0x80000046;
	[dreg:$0x1] =	wrdreg $0xFFFFFFFF  }
0xa9: {  	s25 =	simm.s32 $_size_execute0_lowered;
	s6 =	sadd.s32 s6, s8;
	[dreg:$0x0] =	wrdreg $0x0  }
0xaa: {  	s8 =	sshll.u32 s25, $0x1;
	[dreg:$0x2] =	wrdreg s6  }
0xab: {  	[dreg:$0x3] =	wrdreg s8  }
0xac: {  	[dreg:$0x4] =	wrdreg $0xC0  }
0xad: {  	_ =	task [dreg:s10], $0x5FFFF  }
0xae: {  	[dreg:$0x1] =	wrdreg $0xFFFFFFFF  }
0xaf: {  	[dreg:$0x0] =	wrdreg $0x60  }
0xb0: {  	[dreg:$0x2] =	wrdreg s0  }
0xb1: {  	[dreg:$0x3] =	wrdreg s16  }
0xb2: {  	[dreg:$0x4] =	wrdreg s2  }
0xb3: {  	[dreg:$0x5] =	wrdreg s3  }
0xb4: {  	[dreg:$0x6] =	wrdreg s4  }
0xb5: {  	[dreg:$0x7] =	wrdreg s5  }
0xb6: {  	[dreg:$0x8] =	wrdreg s22  }
0xb7: {  	[dreg:$0x9] =	wrdreg $0x9  }
0xb8: {  	_ =	task.clear_ibuf [dreg:s10], $0xAFFFF;
	_ =	strace $0x90000046  }
0xb9: {  	s26 =	simm.s32 $0x9;
	_ =	strace $0x80000048  }
0xba: {  	_ =	swait.ge [sflag:s26], $0x1  }
0xbb: {  	[sflag:s26] =	ssyncadd.s32 $0xFFFFFFFF  }
0xbc: {  	_ =	strace $0x90000048  }
0xbd: {  	_ =	sfence  }
0xbe: {  	s28 =	sld [smem:$0x0];
	_ =	sdelay $0x1  }
0xbf: {  	s29 =	srdreg.scid  }
0xc0: {  	s30 =	sshll.u32 s29, $0xD;
	s31 =	sshrl.u32 s29, $0x2  }
0xc1: {  	s1 =	sand.u32 $0x1, s29;
	s2 =	sand.u32 $0x4000, s30;
	s0 =	sadd.s32 s31, s28  }
0xc2: {  	s1 =	sor.u32 s2, s1;
	s0 =	sshll.u32 s0, $0x11  }
0xc3: {  	s0 =	sor.u32 s0, s1  }
0xc4: {  	s0 =	sadd.s32 $0x8F2B, s0  }
0xc5: {  	[sflag:s0] =	ssyncadd.remote.s32 $0x1  }
0xc6: {  	_ =	sfence.sel $0xFFFF  }
0xc7: {  	[dreg:$0x0] =	wrdreg $0xFFFFFFFF;
	(pc) =	sbr.abs _section_cstart, $3  }
0xc8: {  	[dreg:$0x1] =	wrdreg $0xFFFFFFFF  }
0xc9: {  	_ =	task.clear_ibuf [dreg:s10], $0x2FFFF;
	_ =	strace $0x9FFFFFFF  }
0xca: {  	(tm) =	ssettm $0x7FFFFFFF  }
0xcb: {  	_ =	shalt  }
tec
execute0_lowered:
.L_overlay_start_1:
0x0: {  	(tag) =	ssettag $0x1  }
0x1: {  	s6 =	rddreg [dreg:$0x0]  }
0x2: {  	s5 =	rddreg [dreg:$0x1]  }
0x3: {  	s9 =	rddreg [dreg:$0x2];
	s1 =	stileid.u32  }
0x4: {  	s10 =	rddreg [dreg:$0x3];
	p0 =	sgt.u32 s1, $0xC  }
.Ltmp0:
0x5: {  	s4 =	rddreg [dreg:$0x4];
	(pc) =	sbr.rel @p0 .LBB2_2-.Ltmp0, $4  }
0x6: {  	s3 =	rddreg [dreg:$0x5]  }
0x7: {  	s2 =	rddreg [dreg:$0x6];
	s7 =	simm.s32 $0x0  }
0x8: {  	[smem:$0x7FF] =	sst s7  }
0x9: {  	s0 =	rddreg [dreg:$0x7];
	_ =	strace $0x80000047  }
0xa: {  	s8 =	sshll.u32 s1, $0x4  }
0xb: {  	s12 =	smin.u32 s8, $0xB8  }
0xc: {  	s11 =	sshrl.u32 s12, $0x3  }
0xd: {  	s10 =	sadd.s32 s10, s11  }
0xe: {  	[tilespmem:s7], [sflag:$0x1] =	stream.linear.gather [hbm4b:s10+s7], $0x10, $0x38;
	[tilespmem:$0x1100] =	vst v63  }
0xf: {  	s26 =	simm.s32 $0x10;
	s28 =	simm.s32 $0x1;
	s9 =	sadd.s32 s9, s11  }
0x10: {  	[tilespmem:s26], [sflag:$0x2] =	stream.linear.gather [hbm4b:s9+s7], $0x10, $0x38;
	[tilespmem:$0x1100] =	vst v63  }
0x11: {  	_ =	swait.ge [sflag:s28], $0x10  }
0x12: {  	[sflag:s28] =	ssyncset.done $0x0  }
0x13: {  	s13 =	simm.s32 $0x80;
	s29 =	simm.s32 $0x2;
	[sflag:s28] =	ssyncadd.s32 $0xFFFFFFF0  }
0x14: {  	[tilespmem:s13], [sflag:$0x1] =	stream.indirect.gather [hbm4b:s3+s26], $0x80, s7, s26, $0xb8;
	[tilespmem:$0x1100] =	vst v63  }
0x15: {  	_ =	swait.ge [sflag:s29], $0x10  }
0x16: {  	[sflag:s29] =	ssyncset.done $0x0  }
0x17: {  	s14 =	simm.s32 $0x880;
	[sflag:s29] =	ssyncadd.s32 $0xFFFFFFF0  }
0x18: {  	[tilespmem:s14], [sflag:$0x2] =	stream.indirect.gather [hbm4b:s3+s26], $0x80, s26, s26, $0xb8;
	[tilespmem:$0x1100] =	vst v63  }
0x19: {  	_ =	swait.ge [sflag:s28], $0x800  }
0x1a: {  	s30 =	sadd.s32 $0x600, s2;
	s12 =	sshll.u32 s12, $0x4;
	[sflag:s28] =	ssyncset.done $0x0  }
0x1b: {  	s12 =	sadd.s32 s30, s12;
	[sflag:s28] =	ssyncadd.s32 $0xFFFFF800  }
0x1c: {  	[hbm4b:s12+s7] =	stream.linear.scatter [tilespmem:s13], [sflag:$0x1], $0x800, $0x38;
	[tilespmem:$0x1100] =	vst v63  }
0x1d: {  	_ =	swait.ge [sflag:s29], $0x800  }
0x1e: {  	[sflag:s29] =	ssyncset.done $0x0  }
0x1f: {  	[sflag:s29] =	ssyncadd.s32 $0xFFFFF800  }
0x20: {  	v1 =	vld [tilespmem:$0x880]  }
0x21: {  	v2 =	vld [tilespmem:$0x900]  }
0x22: {  	v3 =	vld [tilespmem:$0x980]  }
0x23: {  	v4 =	vld [tilespmem:$0xA00]  }
0x24: {  	v5 =	vld [tilespmem:$0xA80]  }
0x25: {  	v6 =	vld [tilespmem:$0xB00]  }
0x26: {  	v7 =	vld [tilespmem:$0xB80]  }
0x27: {  	v8 =	vld [tilespmem:$0xC00]  }
0x28: {  	v9 =	vld [tilespmem:$0xC80]  }
0x29: {  	v10 =	vld [tilespmem:$0xD00]  }
0x2a: {  	v11 =	vld [tilespmem:$0xD80]  }
0x2b: {  	v12 =	vld [tilespmem:$0xE00]  }
0x2c: {  	v13 =	vld [tilespmem:$0xE80]  }
0x2d: {  	v14 =	vld [tilespmem:$0xF00]  }
0x2e: {  	v15 =	vld [tilespmem:$0xF80]  }
0x2f: {  	v16 =	vld [tilespmem:$0x1000]  }
0x30: {  	v17 =	vld [tilespmem:$0x890]  }
0x31: {  	v18 =	vld [tilespmem:$0x910]  }
0x32: {  	v19 =	vld [tilespmem:$0x990]  }
0x33: {  	v20 =	vld [tilespmem:$0xA10]  }
0x34: {  	v21 =	vld [tilespmem:$0xA90]  }
0x35: {  	v22 =	vld [tilespmem:$0xB10]  }
0x36: {  	v23 =	vld [tilespmem:$0xB90]  }
0x37: {  	v24 =	vld [tilespmem:$0xC10]  }
0x38: {  	v25 =	vld [tilespmem:$0xC90]  }
0x39: {  	v26 =	vld [tilespmem:$0xD10]  }
0x3a: {  	v27 =	vld [tilespmem:$0xD90]  }
0x3b: {  	v28 =	vld [tilespmem:$0xE10]  }
0x3c: {  	v29 =	vld [tilespmem:$0xE90]  }
0x3d: {  	v30 =	vld [tilespmem:$0xF10]  }
0x3e: {  	v31 =	vld [tilespmem:$0xF90]  }
0x3f: {  	v32 =	vld [tilespmem:$0x1010]  }
0x40: {  	v33 =	vld [tilespmem:$0x8A0]  }
0x41: {  	v34 =	vld [tilespmem:$0x920]  }
0x42: {  	v35 =	vld [tilespmem:$0x9A0]  }
0x43: {  	v36 =	vld [tilespmem:$0xA20]  }
0x44: {  	v37 =	vld [tilespmem:$0xAA0]  }
0x45: {  	v38 =	vld [tilespmem:$0xB20]  }
0x46: {  	v47 =	vld [tilespmem:$0xBA0]  }
0x47: {  	v0 =	vld [tilespmem:$0xC20]  }
0x48: {  	v41 =	vld [tilespmem:$0xCA0]  }
0x49: {  	v42 =	vld [tilespmem:$0xD20]  }
0x4a: {  	v43 =	vld [tilespmem:$0xDA0]  }
0x4b: {  	v44 =	vld [tilespmem:$0xE20]  }
0x4c: {  	v45 =	vld [tilespmem:$0xEA0]  }
0x4d: {  	v46 =	vld [tilespmem:$0xF20]  }
0x4e: {  	v62 =	vld [tilespmem:$0xFA0]  }
0x4f: {  	v63 =	vld [tilespmem:$0x1020]  }
0x50: {  	v49 =	vld [tilespmem:$0x8B0]  }
0x51: {  	v50 =	vld [tilespmem:$0x930]  }
0x52: {  	v51 =	vld [tilespmem:$0x9B0]  }
0x53: {  	v52 =	vld [tilespmem:$0xA30]  }
0x54: {  	v53 =	vld [tilespmem:$0xAB0]  }
0x55: {  	v54 =	vld [tilespmem:$0xB30]  }
0x56: {  	v55 =	vld [tilespmem:$0xBB0]  }
0x57: {  	v56 =	vld [tilespmem:$0xC30]  }
0x58: {  	v57 =	vld [tilespmem:$0xCB0]  }
0x59: {  	v58 =	vld [tilespmem:$0xD30]  }
0x5a: {  	v59 =	vld [tilespmem:$0xDB0]  }
0x5b: {  	v60 =	vld [tilespmem:$0xE30]  }
0x5c: {  	v61 =	vld [tilespmem:$0xEB0]  }
0x5d: {  	v39 =	vld [tilespmem:$0x1030]  }
0x5e: {  	v48 =	vld [tilespmem:$0x8C0]  }
0x5f: {  	v40 =	vld [tilespmem:$0x940]  }
0x60: {  	[tilespmem:$0x1FF80] =	vst v62;
	v62 =	vld [tilespmem:$0xF30]  }
0x61: {  	[tilespmem:$0x1FF90] =	vst v63;
	v63 =	vld [tilespmem:$0xFB0]  }
0x62: {  	[tilespmem:$0x1FF70] =	vst v0;
	v0 =	vld [tilespmem:$0x9C0]  }
0x63: {  	v1 =	vadd.f32 v2, v1;
	v2 =	vld [tilespmem:$0xD40]  }
0x64: {  	v9 =	vadd.f32 v10, v9;
	v10 =	vld [tilespmem:$0xDC0]  }
0x65: {  	v57 =	vadd.f32 v58, v57;
	v58 =	vld [tilespmem:$0xDD0]  }
0x66: {  	v49 =	vadd.f32 v50, v49;
	v50 =	vadd.f32 v42, v41;
	v41 =	vld [tilespmem:$0xF50]  }
0x67: {  	v26 =	vadd.f32 v26, v25;
	v42 =	vld [tilespmem:$0xFD0]  }
0x68: {  	v1 =	vadd.f32 v3, v1;
	v3 =	vadd.f32 v18, v17;
	v17 =	vld [tilespmem:$0xE40]  }
0x69: {  	v18 =	vld [tilespmem:$0xEC0]  }
0x6a: {  	v9 =	vadd.f32 v11, v9;
	v11 =	vadd.f32 v27, v26;
	v27 =	vld [tilespmem:$0xE50]  }
0x6b: {  	v25 =	vadd.f32 v59, v57;
	v57 =	vld [tilespmem:$0xE60]  }
0x6c: {  	v26 =	vld [tilespmem:$0x970]  }
0x6d: {  	v1 =	vadd.f32 v4, v1;
	v4 =	vld [tilespmem:$0xF40]  }
0x6e: {  	v34 =	vadd.f32 v34, v33;
	v9 =	vadd.f32 v12, v9;
	v12 =	vld [tilespmem:$0xFC0]  }
0x6f: {  	v11 =	vadd.f32 v28, v11;
	v28 =	vld [tilespmem:$0xED0]  }
0x70: {  	v3 =	vadd.f32 v19, v3;
	v19 =	vadd.f32 v35, v34;
	v34 =	vld [tilespmem:$0x9E0]  }
0x71: {  	v35 =	vld [tilespmem:$0xA60]  }
0x72: {  	v25 =	vadd.f32 v60, v25;
	v60 =	vld [tilespmem:$0xF60]  }
0x73: {  	[tilespmem:$0x1FFA0] =	vst v0;
	v0 =	vld [tilespmem:$0xA40]  }
0x74: {  	v1 =	vadd.f32 v5, v1;
	v5 =	vld [tilespmem:$0x1040]  }
0x75: {  	v9 =	vadd.f32 v13, v9;
	v13 =	vld [tilespmem:$0x8D0]  }
0x76: {  	v3 =	vadd.f32 v20, v3;
	v20 =	vld [tilespmem:$0xC50]  }
0x77: {  	v19 =	vadd.f32 v36, v19;
	v36 =	vld [tilespmem:$0xAE0]  }
0x78: {  	v25 =	vadd.f32 v61, v25;
	v61 =	vld [tilespmem:$0xFE0]  }
0x79: {  	v1 =	vadd.f32 v6, v1;
	v6 =	vld [tilespmem:$0x950]  }
0x7a: {  	v9 =	vadd.f32 v14, v9;
	v14 =	vld [tilespmem:$0x9D0]  }
0x7b: {  	[tilespmem:$0x1FFB0] =	vst v0;
	v0 =	vld [tilespmem:$0xAC0]  }
0x7c: {  	v19 =	vadd.f32 v37, v19;
	v37 =	vld [tilespmem:$0xC60]  }
0x7d: {  	v3 =	vadd.f32 v21, v3;
	v21 =	vadd.f32 v51, v49;
	v51 =	vld [tilespmem:$0xCE0]  }
0x7e: {  	v11 =	vadd.f32 v29, v11;
	v1 =	vadd.f32 v7, v1;
	v7 =	vld [tilespmem:$0xA50]  }
0x7f: {  	v9 =	vadd.f32 v15, v9;
	v15 =	vld [tilespmem:$0xAD0]  }
0x80: {  	v11 =	vadd.f32 v30, v11;
	[tilespmem:$0x1FFC0] =	vst v0;
	v0 =	vld [tilespmem:$0xB40]  }
0x81: {  	v3 =	vadd.f32 v22, v3;
	v22 =	vld [tilespmem:$0xCD0]  }
0x82: {  	v25 =	vadd.f32 v62, v25;
	v11 =	vadd.f32 v31, v11;
	v31 =	vld [tilespmem:$0x1050]  }
0x83: {  	v21 =	vadd.f32 v52, v21;
	v52 =	vld [tilespmem:$0x1FFA0]  }
0x84: {  	v25 =	vadd.f32 v63, v25;
	v63 =	vld [tilespmem:$0x8F0]  }
0x85: {  	v19 =	vadd.f32 v38, v19;
	[tilespmem:$0x1FFD0] =	vst v0;
	v0 =	vld [tilespmem:$0xBC0]  }
0x86: {  	v38 =	vld [tilespmem:$0xCF0];
	v1 =	vadd.f32 v8, v1;
	v3 =	vadd.f32 v23, v3  }
0x87: {  	v8 =	vld [tilespmem:$0xB50];
	v9 =	vadd.f32 v16, v9;
	v11 =	vadd.f32 v32, v11  }
0x88: {  	v16 =	vld [tilespmem:$0xBD0];
	v23 =	vadd.f32 v43, v50;
	v21 =	vadd.f32 v53, v21  }
0x89: {  	v43 =	vld [tilespmem:$0x8E0];
	v50 =	vadd.f32 v40, v48;
	v6 =	vadd.f32 v6, v13  }
0x8a: {  	v23 =	vadd.f32 v44, v23;
	v21 =	vadd.f32 v54, v21;
	[tilespmem:$0x1FFE0] =	vst v0;
	v0 =	vld [tilespmem:$0xC40]  }
0x8b: {  	p0 =	seq.s32 s1, $0xC;
	s12 =	simm.f32 $0.0e+00;
	v40 =	vld [tilespmem:$0xD70];
	v3 =	vadd.f32 v24, v3;
	v6 =	vadd.f32 v14, v6  }
0x8c: {  	s12 =	simm.s32 @!p0 $0x3F800000;
	v24 =	vld [tilespmem:$0xD50];
	v23 =	vadd.f32 v45, v23;
	v21 =	vadd.f32 v55, v21  }
0x8d: {  	v19 =	vadd.f32 v47, v19;
	v1 =	vmul.f32 s12, v1;
	v45 =	vld [tilespmem:$0x1FF70];
	v6 =	vadd.f32 v7, v6  }
0x8e: {  	v3 =	vmul.f32 s12, v3;
	v23 =	vadd.f32 v46, v23;
	v46 =	vld [tilespmem:$0x1FF80];
	v21 =	vadd.f32 v56, v21  }
0x8f: {  	v49 =	vadd.f32 v39, v25;
	v6 =	vadd.f32 v15, v6;
	[tilespmem:$0x1FFF0] =	vst v0;
	v0 =	vld [tilespmem:$0xCC0]  }
0x90: {  	v47 =	vld [tilespmem:$0x1FF90];
	v1 =	vadd.f32 v9, v1;
	v3 =	vadd.f32 v11, v3;
	v21 =	vmul.f32 s12, v21  }
0x91: {  	v25 =	vld [tilespmem:$0xBE0];
	v54 =	vadd.f32 v24, v22;
	v6 =	vadd.f32 v8, v6  }
0x92: {  	v53 =	vld [tilespmem:$0xD60];
	v19 =	vadd.f32 v45, v19;
	v11 =	vadd.f32 v49, v21  }
0x93: {  	v44 =	vld [tilespmem:$0x960];
	v23 =	vadd.f32 v46, v23;
	v6 =	vadd.f32 v16, v6  }
0x94: {  	v56 =	vld [tilespmem:$0x1FFB0];
	v46 =	vadd.f32 v40, v38;
	v0 =	vadd.f32 v2, v0  }
0x95: {  	v55 =	vld [tilespmem:$0xDE0];
	v19 =	vmul.f32 s12, v19;
	v9 =	vadd.f32 v47, v23;
	v6 =	vadd.f32 v20, v6  }
0x96: {  	v59 =	vld [tilespmem:$0x1FFC0];
	v0 =	vadd.f32 v10, v0;
	v10 =	vadd.f32 v58, v54  }
0x97: {  	v62 =	vld [tilespmem:$0x1FFD0];
	v9 =	vadd.f32 v9, v19;
	v19 =	vadd.f32 v52, v50  }
0x98: {  	v45 =	vld [tilespmem:$0xE70];
	v0 =	vadd.f32 v17, v0;
	v10 =	vadd.f32 v27, v10  }
0x99: {  	v49 =	vld [tilespmem:$0xEF0];
	v19 =	vadd.f32 v56, v19;
	v2 =	vadd.f32 v53, v51  }
0x9a: {  	v58 =	vld [tilespmem:$0xEE0];
	v0 =	vadd.f32 v18, v0;
	v24 =	vadd.f32 v28, v10  }
0x9b: {  	v19 =	vadd.f32 v59, v19;
	v2 =	vadd.f32 v55, v2;
	v27 =	vld [tilespmem:$0x1FFE0]  }
0x9c: {  	v28 =	vld [tilespmem:$0x9F0];
	v0 =	vadd.f32 v4, v0;
	v4 =	vadd.f32 v41, v24  }
0x9d: {  	v19 =	vadd.f32 v62, v19;
	v2 =	vadd.f32 v57, v2;
	v41 =	vld [tilespmem:$0xA70]  }
0x9e: {  	v4 =	vadd.f32 v42, v4;
	v42 =	vadd.f32 v44, v43;
	v43 =	vld [tilespmem:$0xDF0]  }
0x9f: {  	v23 =	vld [tilespmem:$0xB60];
	v10 =	vadd.f32 v26, v63;
	v2 =	vadd.f32 v58, v2  }
0xa0: {  	v0 =	vadd.f32 v12, v0;
	v44 =	vld [tilespmem:$0xAF0];
	v20 =	vadd.f32 v34, v42  }
0xa1: {  	v39 =	vld [tilespmem:$0x1FFF0];
	v19 =	vadd.f32 v27, v19;
	v8 =	vadd.f32 v28, v10  }
0xa2: {  	v47 =	vld [tilespmem:$0xB70];
	v0 =	vadd.f32 v5, v0;
	v48 =	vadd.f32 v35, v20  }
0xa3: {  	v52 =	vld [tilespmem:$0xF70];
	v5 =	vadd.f32 v41, v8;
	v50 =	vadd.f32 v43, v46  }
0xa4: {  	v51 =	vld [tilespmem:$0xBF0];
	v2 =	vadd.f32 v60, v2;
	v16 =	vadd.f32 v36, v48  }
0xa5: {  	v53 =	vld [tilespmem:$0xC70];
	v5 =	vadd.f32 v44, v5;
	v8 =	vadd.f32 v45, v50  }
0xa6: {  	v55 =	vld [tilespmem:$0xFF0];
	v19 =	vadd.f32 v39, v19;
	v54 =	vadd.f32 v23, v16  }
0xa7: {  	v56 =	vld [tilespmem:$0x1060];
	v5 =	vadd.f32 v47, v5;
	v8 =	vadd.f32 v49, v8  }
0xa8: {  	v57 =	vld [tilespmem:$0x1070];
	v2 =	vadd.f32 v61, v2;
	v15 =	vadd.f32 v25, v54  }
0xa9: {  	v5 =	vadd.f32 v51, v5;
	v8 =	vadd.f32 v52, v8  }
0xaa: {  	[tilespmem:$0x1080] =	vst v1;
	v6 =	vmul.f32 s12, v6;
	v4 =	vadd.f32 v31, v4;
	v58 =	vadd.f32 v37, v15  }
0xab: {  	[tilespmem:$0x1090] =	vst v3;
	v59 =	vmul.f32 s12, v19;
	v60 =	vadd.f32 v53, v5;
	v61 =	vadd.f32 v55, v8  }
0xac: {  	[tilespmem:$0x10B0] =	vst v11;
	v2 =	vadd.f32 v56, v2;
	v4 =	vadd.f32 v4, v6;
	v1 =	vmul.f32 s12, v58  }
0xad: {  	[tilespmem:$0x10A0] =	vst v9;
	v0 =	vadd.f32 v0, v59;
	v3 =	vmul.f32 s12, v60;
	v5 =	vadd.f32 v57, v61  }
0xae: {  	[tilespmem:$0x10D0] =	vst v4;
	v62 =	vadd.f32 v2, v1  }
0xaf: {  	[tilespmem:$0x10C0] =	vst v0;
	v63 =	vadd.f32 v5, v3  }
0xb0: {  	s8 =	sadd.s32 s8, s30;
	[tilespmem:$0x10E0] =	vst v62  }
0xb1: {  	s31 =	simm.s32 $0x1080;
	s8 =	sadd.s32 $0xC90, s8;
	[tilespmem:$0x10F0] =	vst v63  }
0xb2: {  	[hbm4b:s8+s7] =	stream.linear.scatter [tilespmem:s31], [sflag:$0x2], $0x80, $0x38;
	[tilespmem:$0x1100] =	vst v63  }
0xb3: {  	_ =	swait.ge [sflag:s28], $0x800  }
0xb4: {  	[sflag:s28] =	ssyncset.done $0x0  }
0xb5: {  	[sflag:s28] =	ssyncadd.s32 $0xFFFFF800  }
0xb6: {  	_ =	swait.ge [sflag:s29], $0x80  }
0xb7: {  	[sflag:s29] =	ssyncset.done $0x0  }
0xb8: {  	[sflag:s29] =	ssyncadd.s32 $0xFFFFFF80  }
.LBB2_2:
0xb9: {  	p0 =	seq.s32 s1, $0xE  }
.Ltmp1:
0xba: {  	_ = 	snop;
	(pc) =	sbr.rel @p0 .LBB2_5-.Ltmp1, $1  }
0xbb: {  	_ =	sdelay $0x3  }
0xbc: {  	p0 =	sne.s32 s1, $0xD  }
.Ltmp2:
0xbd: {  	_ = 	snop;
	(pc) =	sbr.rel @p0 .LBB2_7-.Ltmp2, $1  }
0xbe: {  	_ =	sdelay $0x3  }
0xbf: {  	s4 =	simm.s32 $0x0;
	s29 =	simm.s32 $0x3  }
0xc0: {  	[tilespmem:s4], [sflag:$0x3] =	stream.linear.gather [hbm4b:s5+s4], $0x1, $0x38;
	[tilespmem:$0x1100] =	vst v63  }
0xc1: {  	_ =	swait.ge [sflag:s29], $0x1  }
0xc2: {  	[sflag:s29] =	ssyncset.done $0x0  }
0xc3: {  	[sflag:s29] =	ssyncadd.s32 $0xFFFFFFFF  }
0xc4: {  	v0 =	vld [tilespmem:$0x0];
	_ =	sdelay $0x4  }
0xc5: {  	(v2sf) =	vpush v0, $0x0;
	_ =	sdelay $0xe  }
.Ltmp3:
0xc6: {  	s30 =	spop (v2sf);
	(pc) =	sbr.rel .LBB2_6-.Ltmp3, $4  }
0xc7: {  	s4 =	sshll.u32 s30, $0x4  }
0xc8: {  	s4 =	sand.u32 $0x1FFFFFF0, s4  }
0xc9: {  	s2 =	sadd.s32 $0x1280, s2;
	s31 =	simm.s32 $0x1F43;
	s3 =	sadd.s32 s3, s4  }
0xca: {  	[hbm:s2], [sflag:s31] =	dma.local [hbm:s3], $0x10  }
.LBB2_5:
0xcb: {  	s3 =	simm.s32 $0x0;
	s29 =	simm.s32 $0x3  }
0xcc: {  	[tilespmem:s3], [sflag:$0x3] =	stream.linear.gather [hbm4b:s6+s3], $0x1, $0x38;
	[tilespmem:$0x1100] =	vst v63  }
0xcd: {  	_ =	swait.ge [sflag:s29], $0x1  }
0xce: {  	[sflag:s29] =	ssyncset.done $0x0  }
0xcf: {  	[sflag:s29] =	ssyncadd.s32 $0xFFFFFFFF  }
0xd0: {  	v0 =	vld [tilespmem:$0x0];
	_ =	sdelay $0x4  }
0xd1: {  	(v2sf) =	vpush v0, $0x0;
	_ =	sdelay $0xe  }
0xd2: {  	s30 =	spop (v2sf)  }
0xd3: {  	s3 =	sshll.u32 s30, $0x4  }
0xd4: {  	s3 =	sand.u32 $0x1FFFFFF0, s3  }
0xd5: {  	s2 =	sadd.s32 $0x1360, s2;
	s31 =	simm.s32 $0x1F83;
	s3 =	sadd.s32 s4, s3  }
0xd6: {  	[hbm:s2], [sflag:s31] =	dma.local [hbm:s3], $0x10  }
.LBB2_6:
0xd7: {  	s2 =	simm.s32 $0x3  }
0xd8: {  	_ =	swait.ge [sflag:s2], $0x10  }
0xd9: {  	[sflag:s2] =	ssyncset.done $0x0  }
0xda: {  	[sflag:s2] =	ssyncadd.s32 $0xFFFFFFF0  }
.LBB2_7:
0xdb: {  	_ =	sfence.sel $0x180000  }
0xdc: {  	[bflag:$0x0] =	sbarrier.arrive $0xFFFF  }
0xdd: {  	p0 =	sne.s32 s1, $0x0;
	_ =	strace $0x90000047  }
0xde: {  	s0 =	sadd.s32 @!p0 $0x100000, s0;
	[bflag:$0x2] =	sbarrier.arrive $0xFFFF  }
0xdf: {  	[sflag:s0] =	ssyncadd.tile.s32 @!p0 $0x1;
	_ =	shalt  }
.Lfunc_end2:
_tile_overlayer_lowered:
.L_overlay_start_2:
0xe0: {  	(tag) =	ssettag $0x2  }
0xe1: {  	s0 =	rddreg [dreg:$0x0];
	s2 =	stileid.u32  }
0xe2: {  	s1 =	rddreg [dreg:$0x1];
	p0 =	sne.s32 s2, $0x0  }
0xe3: {  	s3 =	rddreg [dreg:$0x2];
	[bflag:$0x3] =	sbarrier.arrive $0xFFFF;
	s2 =	simm.s32 @!p0 $0x1C03  }
0xe4: {  	[timem:s3], [sflag:s2] =	dma.local @!p0 [hbm:s0], s1  }
0xe5: {  	s0 =	simm.s32 @!p0 $0x3  }
0xe6: {  	_ =	swait.ge @!p0 [sflag:s0], s1  }
0xe7: {  	s1 =	ssub.s32 @!p0 $0x0, s1;
	[sflag:s0] =	ssyncset.done @!p0 $0x0  }
0xe8: {  	[sflag:s0] =	ssyncadd.s32 @!p0 s1  }
0xe9: {  	[bflag:$0x3] =	sbarrier.arrive $0xFFFF  }
0xea: {  	_ =	shalt  }

</sc_bundles>
